<compile_context>
chip_gen: v7x
topology: tpu7x:2x2x1
jax: 0.10.2.dev20260603
libtpu: 0.0.44.dev20260713+nightly
codegen_flags: <defaults>
</compile_context>

<pallas_src>
import jax
import jax.numpy as jnp
import numpy as np
from jax import lax
from jax.experimental import pallas as pl
from jax.experimental.pallas import tpu as pltpu
from jax.experimental.pallas import tpu_sc as plsc

MAX_LEN = 200
EMBED_DIM = 128
BATCH = 4096

NUM_CORES = 2
NUM_SUBCORES = 16
NUM_WORKERS = NUM_CORES * NUM_SUBCORES
SEQS_PER_WORKER = BATCH // NUM_WORKERS
LANES = 16
VECS_PER_ROW = EMBED_DIM // LANES
NBUF = 4
NPAIR = SEQS_PER_WORKER // NBUF


def _make_pe_np():
    pos = np.arange(MAX_LEN, dtype=np.float64)[:, None]
    j = np.arange(EMBED_DIM, dtype=np.float64)[None, :]
    angle = pos / (10000.0 ** (j / float(EMBED_DIM)))
    pe = np.where((np.arange(EMBED_DIM)[None, :] % 2) == 0, np.sin(angle), np.cos(angle))
    return pe.astype(np.float32)


_PE = _make_pe_np()


def _sc_body(x_hbm, table_hbm, pe_hbm, out_hbm,
             idx0, idx1, idx2, idx3, rows0, rows1, rows2, rows3, pe_v,
             gsem0, gsem1, gsem2, gsem3,
             isem0, isem1, isem2, isem3,
             osem0, osem1, osem2, osem3):
    idx = (idx0, idx1, idx2, idx3)
    rows = (rows0, rows1, rows2, rows3)
    gsem = (gsem0, gsem1, gsem2, gsem3)
    isem = (isem0, isem1, isem2, isem3)
    osem = (osem0, osem1, osem2, osem3)

    wid = lax.axis_index("s") * NUM_CORES + lax.axis_index("c")
    seq0 = wid * SEQS_PER_WORKER

    pltpu.sync_copy(pe_hbm, pe_v)

    def idx_copy(j, b):
        row0 = (seq0 + j) * MAX_LEN
        return pltpu.make_async_copy(x_hbm.at[pl.ds(row0, MAX_LEN)], idx[b], isem[b])

    def gather(b):
        return pltpu.make_async_copy(table_hbm.at[idx[b]], rows[b], gsem[b])

    def store(j, b):
        row0 = (seq0 + j) * MAX_LEN
        return pltpu.make_async_copy(rows[b], out_hbm.at[pl.ds(row0, MAX_LEN)], osem[b])

    for b in range(NBUF):
        pltpu.sync_copy(x_hbm.at[pl.ds((seq0 + b) * MAX_LEN, MAX_LEN)], idx[b])
    gather(0).start()
    gather(1).start()

    def quad(k, carry):
        for b in range(NBUF):
            j = NBUF * k + b
            bg = (b + 2) % NBUF
            gather(b).wait()

            @pl.when(k <= NPAIR - 2)
            def _():
                idx_copy(j + 4, b).start()

            if b < 2:
                @pl.when(k >= 1)
                def _():
                    store(j - 2, bg).wait()
                    idx_copy(j + 2, bg).wait()

                gather(bg).start()
            else:
                @pl.when(k <= NPAIR - 2)
                def _():
                    store(j - 2, bg).wait()
                    idx_copy(j + 2, bg).wait()
                    gather(bg).start()

            def per_row(r, c2):
                for c in range(VECS_PER_ROW):
                    sl = pl.ds(c * LANES, LANES)
                    plsc.addupdate(rows[b].at[r, sl], pe_v[r, sl])
                return c2

            lax.fori_loop(0, MAX_LEN, per_row, 0)
            store(j, b).start()
        return carry

    lax.fori_loop(0, NPAIR, quad, 0)

    for b in range(NBUF):
        store(SEQS_PER_WORKER - NBUF + b, b).wait()


@jax.jit
def _pos_embed(x_flat, table, pe):
    mesh = plsc.VectorSubcoreMesh(core_axis_name="c", subcore_axis_name="s")
    return pl.kernel(
        _sc_body,
        out_type=jax.ShapeDtypeStruct((BATCH * MAX_LEN, EMBED_DIM), jnp.float32),
        mesh=mesh,
        scratch_types=(
            [pltpu.VMEM((MAX_LEN,), jnp.int32) for _ in range(NBUF)]
            + [pltpu.VMEM((MAX_LEN, EMBED_DIM), jnp.float32) for _ in range(NBUF)]
            + [pltpu.VMEM((MAX_LEN, EMBED_DIM), jnp.float32)]
            + [pltpu.SemaphoreType.DMA for _ in range(3 * NBUF)]
        ),
    )(x_flat, table, pe)


def kernel(x, embed_weight):
    x_flat = x.reshape(-1).astype(jnp.int32)
    pe = jnp.asarray(_PE)
    out = _pos_embed(x_flat, embed_weight, pe)
    return out.reshape(BATCH, MAX_LEN, EMBED_DIM)

# --- scband reference (transcript-rebuilt; emitter-appended) ---
"""Pipeline reference for scband-position-embedding-32152125178237 (READ-ONLY COPY).

The authoritative reference and input builder live on the scoring server;
editing this copy changes nothing except your own understanding.
"""

import jax, jax.numpy as jnp
import numpy as np

MAX_LEN = 200
EMBED_DIM = 128
NUM_CLASSES = 100000
BATCH = 4096


def _make_pe():
    # Faithful to torch loop: pe[i, j] = sin(i / 10000**(j/d)) if j even else cos(i / 10000**(j/d))
    pos = jnp.arange(MAX_LEN, dtype=jnp.float32)[:, None]
    j = jnp.arange(EMBED_DIM, dtype=jnp.float32)[None, :]
    angle = pos / (10000.0 ** (j / float(EMBED_DIM)))
    even_mask = (jnp.arange(EMBED_DIM)[None, :] % 2) == 0
    pe = jnp.where(even_mask, jnp.sin(angle), jnp.cos(angle))
    return pe[None, :, :]  # [1, max_len, embed_dim]


def setup_inputs(seed: int = 0) -> dict:
    key = jax.random.key(seed)
    k1, k2 = jax.random.split(key)
    x = jax.random.randint(k1, (BATCH, MAX_LEN), 0, NUM_CLASSES, dtype=jnp.int64 if jax.config.jax_enable_x64 else jnp.int32)
    embed_weight = jax.random.normal(k2, (NUM_CLASSES, EMBED_DIM), dtype=jnp.float32) * 0.1
    return {"x": x, "embed_weight": embed_weight}


def reference(x, embed_weight):
    embed = jnp.take(embed_weight, x, axis=0)  # [B, max_len, embed_dim]
    embed = embed + _make_pe()
    return embed

if __name__ == "__main__":
    import jax
    _d = setup_inputs()
    print(jax.jit(kernel)(*tuple(_d.values())))

</pallas_src>

<mosaic_0001>
#map = affine_map<(d0, d1) -> (0)>
#map1 = affine_map<(d0, d1) -> (0, 0)>
module attributes {stable_mosaic.version = 14 : i64} {
  func.func @_sc_body(%arg0: i32, %arg1: i32, %arg2: memref<819200xi32, #tpu.memory_space<hbm>>, %arg3: memref<100000x128xf32, #tpu.memory_space<hbm>>, %arg4: memref<200x128xf32, #tpu.memory_space<hbm>>, %arg5: memref<819200x128xf32, #tpu.memory_space<hbm>>, %arg6: memref<200xi32, #tpu.memory_space<vmem>>, %arg7: memref<200xi32, #tpu.memory_space<vmem>>, %arg8: memref<200xi32, #tpu.memory_space<vmem>>, %arg9: memref<200xi32, #tpu.memory_space<vmem>>, %arg10: memref<200x128xf32, #tpu.memory_space<vmem>>, %arg11: memref<200x128xf32, #tpu.memory_space<vmem>>, %arg12: memref<200x128xf32, #tpu.memory_space<vmem>>, %arg13: memref<200x128xf32, #tpu.memory_space<vmem>>, %arg14: memref<200x128xf32, #tpu.memory_space<vmem>>, %arg15: memref<!tpu.dma_semaphore, #tpu.memory_space<semaphore_mem>>, %arg16: memref<!tpu.dma_semaphore, #tpu.memory_space<semaphore_mem>>, %arg17: memref<!tpu.dma_semaphore, #tpu.memory_space<semaphore_mem>>, %arg18: memref<!tpu.dma_semaphore, #tpu.memory_space<semaphore_mem>>, %arg19: memref<!tpu.dma_semaphore, #tpu.memory_space<semaphore_mem>>, %arg20: memref<!tpu.dma_semaphore, #tpu.memory_space<semaphore_mem>>, %arg21: memref<!tpu.dma_semaphore, #tpu.memory_space<semaphore_mem>>, %arg22: memref<!tpu.dma_semaphore, #tpu.memory_space<semaphore_mem>>, %arg23: memref<!tpu.dma_semaphore, #tpu.memory_space<semaphore_mem>>, %arg24: memref<!tpu.dma_semaphore, #tpu.memory_space<semaphore_mem>>, %arg25: memref<!tpu.dma_semaphore, #tpu.memory_space<semaphore_mem>>, %arg26: memref<!tpu.dma_semaphore, #tpu.memory_space<semaphore_mem>>) attributes {dimension_semantics = [#tpu.dimension_semantics<core_parallel>, #tpu.dimension_semantics<subcore_parallel>], iteration_bounds = array<i64: 2, 16>, scalar_prefetch = 0 : i64, scratch_operands = 21 : i64, tpu.core_type = #tpu.core_type<sc_vector_subcore>, window_params = [{transform_indices = #map}, {transform_indices = #map1}, {transform_indices = #map1}, {transform_indices = #map1}]} {
    %mul3A = arith.constant 2 : i32
    %mul3A_0 = arith.muli %arg1, %mul3A : i32
    %add3A = arith.addi %mul3A_0, %arg0 : i32
    %mul3A_1 = arith.constant 128 : i32
    %mul3A_2 = arith.muli %add3A, %mul3A_1 : i32
    "tpu.region"() ({
      %run_scoped3A = tpu.sem_alloc : memref<!tpu.dma_semaphore, #tpu.memory_space<semaphore_mem>>
      tpu.enqueue_dma source(%arg4 : memref<200x128xf32, #tpu.memory_space<hbm>>) target(%arg14 : memref<200x128xf32, #tpu.memory_space<vmem>>) target_semaphore(%run_scoped3A : memref<!tpu.dma_semaphore, #tpu.memory_space<semaphore_mem>>)
      tpu.wait_dma2 semaphore(%run_scoped3A : memref<!tpu.dma_semaphore, #tpu.memory_space<semaphore_mem>>) src(%arg4 : memref<200x128xf32, #tpu.memory_space<hbm>>) dst(%arg14 : memref<200x128xf32, #tpu.memory_space<vmem>>)
      tpu.yield
    }) : () -> ()
    %add3A_3 = arith.constant 0 : i32
    %add3A_4 = arith.addi %mul3A_2, %add3A_3 : i32
    %mul3A_5 = arith.constant 200 : i32
    %mul3A_6 = arith.muli %add3A_4, %mul3A_5 : i32
    "tpu.region"() ({
      %run_scoped3A = tpu.sem_alloc : memref<!tpu.dma_semaphore, #tpu.memory_space<semaphore_mem>>
      %dma_start3A_60 = tpu.memref_slice %arg2[%mul3A_6] : memref<819200xi32, #tpu.memory_space<hbm>> -> memref<200xi32, #tpu.memory_space<hbm>>
      %dma_start3A_61 = tpu.memref_slice %arg2[%mul3A_6] : memref<819200xi32, #tpu.memory_space<hbm>> -> memref<200xi32, #tpu.memory_space<hbm>>
      tpu.enqueue_dma source(%dma_start3A_61 : memref<200xi32, #tpu.memory_space<hbm>>) target(%arg6 : memref<200xi32, #tpu.memory_space<vmem>>) target_semaphore(%run_scoped3A : memref<!tpu.dma_semaphore, #tpu.memory_space<semaphore_mem>>)
      %dma_wait3A_62 = tpu.memref_slice %arg2[%mul3A_6] : memref<819200xi32, #tpu.memory_space<hbm>> -> memref<200xi32, #tpu.memory_space<hbm>>
      %dma_wait3A_63 = tpu.memref_slice %arg2[%mul3A_6] : memref<819200xi32, #tpu.memory_space<hbm>> -> memref<200xi32, #tpu.memory_space<hbm>>
      tpu.wait_dma2 semaphore(%run_scoped3A : memref<!tpu.dma_semaphore, #tpu.memory_space<semaphore_mem>>) src(%dma_wait3A_63 : memref<200xi32, #tpu.memory_space<hbm>>) dst(%arg6 : memref<200xi32, #tpu.memory_space<vmem>>)
      tpu.yield
    }) : () -> ()
    %add3A_7 = arith.constant 1 : i32
    %add3A_8 = arith.addi %mul3A_2, %add3A_7 : i32
    %mul3A_9 = arith.constant 200 : i32
    %mul3A_10 = arith.muli %add3A_8, %mul3A_9 : i32
    "tpu.region"() ({
      %run_scoped3A = tpu.sem_alloc : memref<!tpu.dma_semaphore, #tpu.memory_space<semaphore_mem>>
      %dma_start3A_60 = tpu.memref_slice %arg2[%mul3A_10] : memref<819200xi32, #tpu.memory_space<hbm>> -> memref<200xi32, #tpu.memory_space<hbm>>
      %dma_start3A_61 = tpu.memref_slice %arg2[%mul3A_10] : memref<819200xi32, #tpu.memory_space<hbm>> -> memref<200xi32, #tpu.memory_space<hbm>>
      tpu.enqueue_dma source(%dma_start3A_61 : memref<200xi32, #tpu.memory_space<hbm>>) target(%arg7 : memref<200xi32, #tpu.memory_space<vmem>>) target_semaphore(%run_scoped3A : memref<!tpu.dma_semaphore, #tpu.memory_space<semaphore_mem>>)
      %dma_wait3A_62 = tpu.memref_slice %arg2[%mul3A_10] : memref<819200xi32, #tpu.memory_space<hbm>> -> memref<200xi32, #tpu.memory_space<hbm>>
      %dma_wait3A_63 = tpu.memref_slice %arg2[%mul3A_10] : memref<819200xi32, #tpu.memory_space<hbm>> -> memref<200xi32, #tpu.memory_space<hbm>>
      tpu.wait_dma2 semaphore(%run_scoped3A : memref<!tpu.dma_semaphore, #tpu.memory_space<semaphore_mem>>) src(%dma_wait3A_63 : memref<200xi32, #tpu.memory_space<hbm>>) dst(%arg7 : memref<200xi32, #tpu.memory_space<vmem>>)
      tpu.yield
    }) : () -> ()
    %add3A_11 = arith.constant 2 : i32
    %add3A_12 = arith.addi %mul3A_2, %add3A_11 : i32
    %mul3A_13 = arith.constant 200 : i32
    %mul3A_14 = arith.muli %add3A_12, %mul3A_13 : i32
    "tpu.region"() ({
      %run_scoped3A = tpu.sem_alloc : memref<!tpu.dma_semaphore, #tpu.memory_space<semaphore_mem>>
      %dma_start3A_60 = tpu.memref_slice %arg2[%mul3A_14] : memref<819200xi32, #tpu.memory_space<hbm>> -> memref<200xi32, #tpu.memory_space<hbm>>
      %dma_start3A_61 = tpu.memref_slice %arg2[%mul3A_14] : memref<819200xi32, #tpu.memory_space<hbm>> -> memref<200xi32, #tpu.memory_space<hbm>>
      tpu.enqueue_dma source(%dma_start3A_61 : memref<200xi32, #tpu.memory_space<hbm>>) target(%arg8 : memref<200xi32, #tpu.memory_space<vmem>>) target_semaphore(%run_scoped3A : memref<!tpu.dma_semaphore, #tpu.memory_space<semaphore_mem>>)
      %dma_wait3A_62 = tpu.memref_slice %arg2[%mul3A_14] : memref<819200xi32, #tpu.memory_space<hbm>> -> memref<200xi32, #tpu.memory_space<hbm>>
      %dma_wait3A_63 = tpu.memref_slice %arg2[%mul3A_14] : memref<819200xi32, #tpu.memory_space<hbm>> -> memref<200xi32, #tpu.memory_space<hbm>>
      tpu.wait_dma2 semaphore(%run_scoped3A : memref<!tpu.dma_semaphore, #tpu.memory_space<semaphore_mem>>) src(%dma_wait3A_63 : memref<200xi32, #tpu.memory_space<hbm>>) dst(%arg8 : memref<200xi32, #tpu.memory_space<vmem>>)
      tpu.yield
    }) : () -> ()
    %add3A_15 = arith.constant 3 : i32
    %add3A_16 = arith.addi %mul3A_2, %add3A_15 : i32
    %mul3A_17 = arith.constant 200 : i32
    %mul3A_18 = arith.muli %add3A_16, %mul3A_17 : i32
    "tpu.region"() ({
      %run_scoped3A = tpu.sem_alloc : memref<!tpu.dma_semaphore, #tpu.memory_space<semaphore_mem>>
      %dma_start3A_60 = tpu.memref_slice %arg2[%mul3A_18] : memref<819200xi32, #tpu.memory_space<hbm>> -> memref<200xi32, #tpu.memory_space<hbm>>
      %dma_start3A_61 = tpu.memref_slice %arg2[%mul3A_18] : memref<819200xi32, #tpu.memory_space<hbm>> -> memref<200xi32, #tpu.memory_space<hbm>>
      tpu.enqueue_dma source(%dma_start3A_61 : memref<200xi32, #tpu.memory_space<hbm>>) target(%arg9 : memref<200xi32, #tpu.memory_space<vmem>>) target_semaphore(%run_scoped3A : memref<!tpu.dma_semaphore, #tpu.memory_space<semaphore_mem>>)
      %dma_wait3A_62 = tpu.memref_slice %arg2[%mul3A_18] : memref<819200xi32, #tpu.memory_space<hbm>> -> memref<200xi32, #tpu.memory_space<hbm>>
      %dma_wait3A_63 = tpu.memref_slice %arg2[%mul3A_18] : memref<819200xi32, #tpu.memory_space<hbm>> -> memref<200xi32, #tpu.memory_space<hbm>>
      tpu.wait_dma2 semaphore(%run_scoped3A : memref<!tpu.dma_semaphore, #tpu.memory_space<semaphore_mem>>) src(%dma_wait3A_63 : memref<200xi32, #tpu.memory_space<hbm>>) dst(%arg9 : memref<200xi32, #tpu.memory_space<vmem>>)
      tpu.yield
    }) : () -> ()
    %dma_start3A = arith.constant 0 : i32
    %dma_start3A_19 = arith.constant 0 : i32
    %dma_start3A_20 = tpu.memref_slice %arg3[%dma_start3A, %dma_start3A_19] : memref<100000x128xf32, #tpu.memory_space<hbm>> -> memref<100000x128xf32, #tpu.memory_space<hbm>>
    tpu.enqueue_indirect_dma source(%dma_start3A_20 : memref<100000x128xf32, #tpu.memory_space<hbm>>) target(%arg10 : memref<200x128xf32, #tpu.memory_space<vmem>>) offsets(%arg6 : memref<200xi32, #tpu.memory_space<vmem>>) semaphore(%arg15 : memref<!tpu.dma_semaphore, #tpu.memory_space<semaphore_mem>>)
    %dma_start3A_21 = arith.constant 0 : i32
    %dma_start3A_22 = arith.constant 0 : i32
    %dma_start3A_23 = tpu.memref_slice %arg3[%dma_start3A_21, %dma_start3A_22] : memref<100000x128xf32, #tpu.memory_space<hbm>> -> memref<100000x128xf32, #tpu.memory_space<hbm>>
    tpu.enqueue_indirect_dma source(%dma_start3A_23 : memref<100000x128xf32, #tpu.memory_space<hbm>>) target(%arg11 : memref<200x128xf32, #tpu.memory_space<vmem>>) offsets(%arg7 : memref<200xi32, #tpu.memory_space<vmem>>) semaphore(%arg16 : memref<!tpu.dma_semaphore, #tpu.memory_space<semaphore_mem>>)
    %scan3A = arith.constant 0 : i32
    %scan3A_24 = arith.constant 0 : i32
    %scan3A_25 = arith.constant 32 : i32
    %scan3A_26 = arith.addi %scan3A_24, %scan3A_25 : i32
    %scan3A_27 = arith.constant 1 : i32
    scf.for %scan3A_60 = %scan3A_24 to %scan3A_26 step %scan3A_27  : i32 {
      %mul3A_61 = arith.constant 4 : i32
      %mul3A_62 = arith.muli %mul3A_61, %scan3A_60 : i32
      %add3A_63 = arith.constant 0 : i32
      %add3A_64 = arith.addi %mul3A_62, %add3A_63 : i32
      %dma_wait3A_65 = arith.constant 0 : i32
      %dma_wait3A_66 = arith.constant 0 : i32
      %dma_wait3A_67 = tpu.memref_slice %arg3[%dma_wait3A_65, %dma_wait3A_66] : memref<100000x128xf32, #tpu.memory_space<hbm>> -> memref<100000x128xf32, #tpu.memory_space<hbm>>
      tpu.wait_indirect_dma semaphore(%arg15 : memref<!tpu.dma_semaphore, #tpu.memory_space<semaphore_mem>>) src(%dma_wait3A_67 : memref<100000x128xf32, #tpu.memory_space<hbm>>) dst(%arg10 : memref<200x128xf32, #tpu.memory_space<vmem>>)
      %le3A = arith.constant 30 : i32
      %le3A_68 = arith.cmpi sle, %scan3A_60, %le3A : i32
      %convert_element_type3A = arith.extui %le3A_68 : i1 to i32
      %cond3A = arith.constant 0 : i32
      %cond3A_69 = arith.cmpi ne, %convert_element_type3A, %cond3A : i32
      scf.if %cond3A_69 {
        %add3A_183 = arith.constant 4 : i32
        %add3A_184 = arith.addi %add3A_64, %add3A_183 : i32
        %add3A_185 = arith.addi %mul3A_2, %add3A_184 : i32
        %mul3A_186 = arith.constant 200 : i32
        %mul3A_187 = arith.muli %add3A_185, %mul3A_186 : i32
        %dma_start3A_188 = tpu.memref_slice %arg2[%mul3A_187] : memref<819200xi32, #tpu.memory_space<hbm>> -> memref<200xi32, #tpu.memory_space<hbm>>
        %dma_start3A_189 = tpu.memref_slice %arg2[%mul3A_187] : memref<819200xi32, #tpu.memory_space<hbm>> -> memref<200xi32, #tpu.memory_space<hbm>>
        tpu.enqueue_dma source(%dma_start3A_189 : memref<200xi32, #tpu.memory_space<hbm>>) target(%arg6 : memref<200xi32, #tpu.memory_space<vmem>>) target_semaphore(%arg19 : memref<!tpu.dma_semaphore, #tpu.memory_space<semaphore_mem>>)
      } else {
      }
      %ge3A = arith.constant 1 : i32
      %ge3A_70 = arith.cmpi sge, %scan3A_60, %ge3A : i32
      %convert_element_type3A_71 = arith.extui %ge3A_70 : i1 to i32
      %cond3A_72 = arith.constant 0 : i32
      %cond3A_73 = arith.cmpi ne, %convert_element_type3A_71, %cond3A_72 : i32
      scf.if %cond3A_73 {
        %sub3A = arith.constant 2 : i32
        %sub3A_183 = arith.subi %add3A_64, %sub3A : i32
        %add3A_184 = arith.addi %mul3A_2, %sub3A_183 : i32
        %mul3A_185 = arith.constant 200 : i32
        %mul3A_186 = arith.muli %add3A_184, %mul3A_185 : i32
        %dma_wait3A_187 = arith.constant 0 : i32
        %dma_wait3A_188 = tpu.memref_slice %arg5[%mul3A_186, %dma_wait3A_187] : memref<819200x128xf32, #tpu.memory_space<hbm>> -> memref<200x128xf32, #tpu.memory_space<hbm>>
        %dma_wait3A_189 = arith.constant 0 : i32
        %dma_wait3A_190 = tpu.memref_slice %arg5[%mul3A_186, %dma_wait3A_189] : memref<819200x128xf32, #tpu.memory_space<hbm>> -> memref<200x128xf32, #tpu.memory_space<hbm>>
        tpu.wait_dma2 semaphore(%arg25 : memref<!tpu.dma_semaphore, #tpu.memory_space<semaphore_mem>>) src(%arg12 : memref<200x128xf32, #tpu.memory_space<vmem>>) dst(%dma_wait3A_190 : memref<200x128xf32, #tpu.memory_space<hbm>>)
        %add3A_191 = arith.constant 2 : i32
        %add3A_192 = arith.addi %add3A_64, %add3A_191 : i32
        %add3A_193 = arith.addi %mul3A_2, %add3A_192 : i32
        %mul3A_194 = arith.constant 200 : i32
        %mul3A_195 = arith.muli %add3A_193, %mul3A_194 : i32
        %dma_wait3A_196 = tpu.memref_slice %arg2[%mul3A_195] : memref<819200xi32, #tpu.memory_space<hbm>> -> memref<200xi32, #tpu.memory_space<hbm>>
        %dma_wait3A_197 = tpu.memref_slice %arg2[%mul3A_195] : memref<819200xi32, #tpu.memory_space<hbm>> -> memref<200xi32, #tpu.memory_space<hbm>>
        tpu.wait_dma2 semaphore(%arg21 : memref<!tpu.dma_semaphore, #tpu.memory_space<semaphore_mem>>) src(%dma_wait3A_197 : memref<200xi32, #tpu.memory_space<hbm>>) dst(%arg8 : memref<200xi32, #tpu.memory_space<vmem>>)
      } else {
      }
      %dma_start3A_74 = arith.constant 0 : i32
      %dma_start3A_75 = arith.constant 0 : i32
      %dma_start3A_76 = tpu.memref_slice %arg3[%dma_start3A_74, %dma_start3A_75] : memref<100000x128xf32, #tpu.memory_space<hbm>> -> memref<100000x128xf32, #tpu.memory_space<hbm>>
      tpu.enqueue_indirect_dma source(%dma_start3A_76 : memref<100000x128xf32, #tpu.memory_space<hbm>>) target(%arg12 : memref<200x128xf32, #tpu.memory_space<vmem>>) offsets(%arg8 : memref<200xi32, #tpu.memory_space<vmem>>) semaphore(%arg17 : memref<!tpu.dma_semaphore, #tpu.memory_space<semaphore_mem>>)
      %scan3A_77 = arith.constant 0 : i32
      %scan3A_78 = arith.constant 0 : i32
      %scan3A_79 = arith.constant 200 : i32
      %scan3A_80 = arith.addi %scan3A_78, %scan3A_79 : i32
      %scan3A_81 = arith.constant 1 : i32
      scf.for %scan3A_183 = %scan3A_78 to %scan3A_80 step %scan3A_81  : i32 {
        %get3A = arith.index_cast %scan3A_183 : i32 to index
        %get3A_184 = arith.constant 0 : index
        %get3A_185 = tpu.vector_load %arg14[%get3A, %get3A_184] {strides = array<i32>} : memref<200x128xf32, #tpu.memory_space<vmem>>, vector<1x16xf32>,
        %get3A_186 = vector.shape_cast %get3A_185 : vector<1x16xf32> to vector<16xf32>
        %swap3A = arith.index_cast %scan3A_183 : i32 to index
        %swap3A_187 = arith.constant 0 : index
        %swap3A_188 = tpu.vector_load %arg10[%swap3A, %swap3A_187] {strides = array<i32>} : memref<200x128xf32, #tpu.memory_space<vmem>>, vector<1x16xf32>,
        %swap3A_189 = vector.shape_cast %swap3A_188 : vector<1x16xf32> to vector<16xf32>
        %swap3A_190 = vector.shape_cast %get3A_186 : vector<16xf32> to vector<1x16xf32>
        tpu.vector_store %arg10[%swap3A, %swap3A_187], %swap3A_190 {add = true, strides = array<i32>} : memref<200x128xf32, #tpu.memory_space<vmem>>, vector<1x16xf32>,
        %get3A_191 = arith.index_cast %scan3A_183 : i32 to index
        %get3A_192 = arith.constant 16 : index
        %get3A_193 = tpu.vector_load %arg14[%get3A_191, %get3A_192] {strides = array<i32>} : memref<200x128xf32, #tpu.memory_space<vmem>>, vector<1x16xf32>,
        %get3A_194 = vector.shape_cast %get3A_193 : vector<1x16xf32> to vector<16xf32>
        %swap3A_195 = arith.index_cast %scan3A_183 : i32 to index
        %swap3A_196 = arith.constant 16 : index
        %swap3A_197 = tpu.vector_load %arg10[%swap3A_195, %swap3A_196] {strides = array<i32>} : memref<200x128xf32, #tpu.memory_space<vmem>>, vector<1x16xf32>,
        %swap3A_198 = vector.shape_cast %swap3A_197 : vector<1x16xf32> to vector<16xf32>
        %swap3A_199 = vector.shape_cast %get3A_194 : vector<16xf32> to vector<1x16xf32>
        tpu.vector_store %arg10[%swap3A_195, %swap3A_196], %swap3A_199 {add = true, strides = array<i32>} : memref<200x128xf32, #tpu.memory_space<vmem>>, vector<1x16xf32>,
        %get3A_200 = arith.index_cast %scan3A_183 : i32 to index
        %get3A_201 = arith.constant 32 : index
        %get3A_202 = tpu.vector_load %arg14[%get3A_200, %get3A_201] {strides = array<i32>} : memref<200x128xf32, #tpu.memory_space<vmem>>, vector<1x16xf32>,
        %get3A_203 = vector.shape_cast %get3A_202 : vector<1x16xf32> to vector<16xf32>
        %swap3A_204 = arith.index_cast %scan3A_183 : i32 to index
        %swap3A_205 = arith.constant 32 : index
        %swap3A_206 = tpu.vector_load %arg10[%swap3A_204, %swap3A_205] {strides = array<i32>} : memref<200x128xf32, #tpu.memory_space<vmem>>, vector<1x16xf32>,
        %swap3A_207 = vector.shape_cast %swap3A_206 : vector<1x16xf32> to vector<16xf32>
        %swap3A_208 = vector.shape_cast %get3A_203 : vector<16xf32> to vector<1x16xf32>
        tpu.vector_store %arg10[%swap3A_204, %swap3A_205], %swap3A_208 {add = true, strides = array<i32>} : memref<200x128xf32, #tpu.memory_space<vmem>>, vector<1x16xf32>,
        %get3A_209 = arith.index_cast %scan3A_183 : i32 to index
        %get3A_210 = arith.constant 48 : index
        %get3A_211 = tpu.vector_load %arg14[%get3A_209, %get3A_210] {strides = array<i32>} : memref<200x128xf32, #tpu.memory_space<vmem>>, vector<1x16xf32>,
        %get3A_212 = vector.shape_cast %get3A_211 : vector<1x16xf32> to vector<16xf32>
        %swap3A_213 = arith.index_cast %scan3A_183 : i32 to index
        %swap3A_214 = arith.constant 48 : index
        %swap3A_215 = tpu.vector_load %arg10[%swap3A_213, %swap3A_214] {strides = array<i32>} : memref<200x128xf32, #tpu.memory_space<vmem>>, vector<1x16xf32>,
        %swap3A_216 = vector.shape_cast %swap3A_215 : vector<1x16xf32> to vector<16xf32>
        %swap3A_217 = vector.shape_cast %get3A_212 : vector<16xf32> to vector<1x16xf32>
        tpu.vector_store %arg10[%swap3A_213, %swap3A_214], %swap3A_217 {add = true, strides = array<i32>} : memref<200x128xf32, #tpu.memory_space<vmem>>, vector<1x16xf32>,
        %get3A_218 = arith.index_cast %scan3A_183 : i32 to index
        %get3A_219 = arith.constant 64 : index
        %get3A_220 = tpu.vector_load %arg14[%get3A_218, %get3A_219] {strides = array<i32>} : memref<200x128xf32, #tpu.memory_space<vmem>>, vector<1x16xf32>,
        %get3A_221 = vector.shape_cast %get3A_220 : vector<1x16xf32> to vector<16xf32>
        %swap3A_222 = arith.index_cast %scan3A_183 : i32 to index
        %swap3A_223 = arith.constant 64 : index
        %swap3A_224 = tpu.vector_load %arg10[%swap3A_222, %swap3A_223] {strides = array<i32>} : memref<200x128xf32, #tpu.memory_space<vmem>>, vector<1x16xf32>,
        %swap3A_225 = vector.shape_cast %swap3A_224 : vector<1x16xf32> to vector<16xf32>
        %swap3A_226 = vector.shape_cast %get3A_221 : vector<16xf32> to vector<1x16xf32>
        tpu.vector_store %arg10[%swap3A_222, %swap3A_223], %swap3A_226 {add = true, strides = array<i32>} : memref<200x128xf32, #tpu.memory_space<vmem>>, vector<1x16xf32>,
        %get3A_227 = arith.index_cast %scan3A_183 : i32 to index
        %get3A_228 = arith.constant 80 : index
        %get3A_229 = tpu.vector_load %arg14[%get3A_227, %get3A_228] {strides = array<i32>} : memref<200x128xf32, #tpu.memory_space<vmem>>, vector<1x16xf32>,
        %get3A_230 = vector.shape_cast %get3A_229 : vector<1x16xf32> to vector<16xf32>
        %swap3A_231 = arith.index_cast %scan3A_183 : i32 to index
        %swap3A_232 = arith.constant 80 : index
        %swap3A_233 = tpu.vector_load %arg10[%swap3A_231, %swap3A_232] {strides = array<i32>} : memref<200x128xf32, #tpu.memory_space<vmem>>, vector<1x16xf32>,
        %swap3A_234 = vector.shape_cast %swap3A_233 : vector<1x16xf32> to vector<16xf32>
        %swap3A_235 = vector.shape_cast %get3A_230 : vector<16xf32> to vector<1x16xf32>
        tpu.vector_store %arg10[%swap3A_231, %swap3A_232], %swap3A_235 {add = true, strides = array<i32>} : memref<200x128xf32, #tpu.memory_space<vmem>>, vector<1x16xf32>,
        %get3A_236 = arith.index_cast %scan3A_183 : i32 to index
        %get3A_237 = arith.constant 96 : index
        %get3A_238 = tpu.vector_load %arg14[%get3A_236, %get3A_237] {strides = array<i32>} : memref<200x128xf32, #tpu.memory_space<vmem>>, vector<1x16xf32>,
        %get3A_239 = vector.shape_cast %get3A_238 : vector<1x16xf32> to vector<16xf32>
        %swap3A_240 = arith.index_cast %scan3A_183 : i32 to index
        %swap3A_241 = arith.constant 96 : index
        %swap3A_242 = tpu.vector_load %arg10[%swap3A_240, %swap3A_241] {strides = array<i32>} : memref<200x128xf32, #tpu.memory_space<vmem>>, vector<1x16xf32>,
        %swap3A_243 = vector.shape_cast %swap3A_242 : vector<1x16xf32> to vector<16xf32>
        %swap3A_244 = vector.shape_cast %get3A_239 : vector<16xf32> to vector<1x16xf32>
        tpu.vector_store %arg10[%swap3A_240, %swap3A_241], %swap3A_244 {add = true, strides = array<i32>} : memref<200x128xf32, #tpu.memory_space<vmem>>, vector<1x16xf32>,
        %get3A_245 = arith.index_cast %scan3A_183 : i32 to index
        %get3A_246 = arith.constant 112 : index
        %get3A_247 = tpu.vector_load %arg14[%get3A_245, %get3A_246] {strides = array<i32>} : memref<200x128xf32, #tpu.memory_space<vmem>>, vector<1x16xf32>,
        %get3A_248 = vector.shape_cast %get3A_247 : vector<1x16xf32> to vector<16xf32>
        %swap3A_249 = arith.index_cast %scan3A_183 : i32 to index
        %swap3A_250 = arith.constant 112 : index
        %swap3A_251 = tpu.vector_load %arg10[%swap3A_249, %swap3A_250] {strides = array<i32>} : memref<200x128xf32, #tpu.memory_space<vmem>>, vector<1x16xf32>,
        %swap3A_252 = vector.shape_cast %swap3A_251 : vector<1x16xf32> to vector<16xf32>
        %swap3A_253 = vector.shape_cast %get3A_248 : vector<16xf32> to vector<1x16xf32>
        tpu.vector_store %arg10[%swap3A_249, %swap3A_250], %swap3A_253 {add = true, strides = array<i32>} : memref<200x128xf32, #tpu.memory_space<vmem>>, vector<1x16xf32>,
      }
      %scan3A_82 = arith.constant 200 : i32
      %add3A_83 = arith.addi %mul3A_2, %add3A_64 : i32
      %mul3A_84 = arith.constant 200 : i32
      %mul3A_85 = arith.muli %add3A_83, %mul3A_84 : i32
      %dma_start3A_86 = arith.constant 0 : i32
      %dma_start3A_87 = tpu.memref_slice %arg5[%mul3A_85, %dma_start3A_86] : memref<819200x128xf32, #tpu.memory_space<hbm>> -> memref<200x128xf32, #tpu.memory_space<hbm>>
      %dma_start3A_88 = arith.constant 0 : i32
      %dma_start3A_89 = tpu.memref_slice %arg5[%mul3A_85, %dma_start3A_88] : memref<819200x128xf32, #tpu.memory_space<hbm>> -> memref<200x128xf32, #tpu.memory_space<hbm>>
      tpu.enqueue_dma source(%arg10 : memref<200x128xf32, #tpu.memory_space<vmem>>) target(%dma_start3A_89 : memref<200x128xf32, #tpu.memory_space<hbm>>) target_semaphore(%arg23 : memref<!tpu.dma_semaphore, #tpu.memory_space<semaphore_mem>>)
      %mul3A_90 = arith.constant 4 : i32
      %mul3A_91 = arith.muli %mul3A_90, %scan3A_60 : i32
      %add3A_92 = arith.constant 1 : i32
      %add3A_93 = arith.addi %mul3A_91, %add3A_92 : i32
      %dma_wait3A_94 = arith.constant 0 : i32
      %dma_wait3A_95 = arith.constant 0 : i32
      %dma_wait3A_96 = tpu.memref_slice %arg3[%dma_wait3A_94, %dma_wait3A_95] : memref<100000x128xf32, #tpu.memory_space<hbm>> -> memref<100000x128xf32, #tpu.memory_space<hbm>>
      tpu.wait_indirect_dma semaphore(%arg16 : memref<!tpu.dma_semaphore, #tpu.memory_space<semaphore_mem>>) src(%dma_wait3A_96 : memref<100000x128xf32, #tpu.memory_space<hbm>>) dst(%arg11 : memref<200x128xf32, #tpu.memory_space<vmem>>)
      %le3A_97 = arith.constant 30 : i32
      %le3A_98 = arith.cmpi sle, %scan3A_60, %le3A_97 : i32
      %convert_element_type3A_99 = arith.extui %le3A_98 : i1 to i32
      %cond3A_100 = arith.constant 0 : i32
      %cond3A_101 = arith.cmpi ne, %convert_element_type3A_99, %cond3A_100 : i32
      scf.if %cond3A_101 {
        %add3A_183 = arith.constant 4 : i32
        %add3A_184 = arith.addi %add3A_93, %add3A_183 : i32
        %add3A_185 = arith.addi %mul3A_2, %add3A_184 : i32
        %mul3A_186 = arith.constant 200 : i32
        %mul3A_187 = arith.muli %add3A_185, %mul3A_186 : i32
        %dma_start3A_188 = tpu.memref_slice %arg2[%mul3A_187] : memref<819200xi32, #tpu.memory_space<hbm>> -> memref<200xi32, #tpu.memory_space<hbm>>
        %dma_start3A_189 = tpu.memref_slice %arg2[%mul3A_187] : memref<819200xi32, #tpu.memory_space<hbm>> -> memref<200xi32, #tpu.memory_space<hbm>>
        tpu.enqueue_dma source(%dma_start3A_189 : memref<200xi32, #tpu.memory_space<hbm>>) target(%arg7 : memref<200xi32, #tpu.memory_space<vmem>>) target_semaphore(%arg20 : memref<!tpu.dma_semaphore, #tpu.memory_space<semaphore_mem>>)
      } else {
      }
      %ge3A_102 = arith.constant 1 : i32
      %ge3A_103 = arith.cmpi sge, %scan3A_60, %ge3A_102 : i32
      %convert_element_type3A_104 = arith.extui %ge3A_103 : i1 to i32
      %cond3A_105 = arith.constant 0 : i32
      %cond3A_106 = arith.cmpi ne, %convert_element_type3A_104, %cond3A_105 : i32
      scf.if %cond3A_106 {
        %sub3A = arith.constant 2 : i32
        %sub3A_183 = arith.subi %add3A_93, %sub3A : i32
        %add3A_184 = arith.addi %mul3A_2, %sub3A_183 : i32
        %mul3A_185 = arith.constant 200 : i32
        %mul3A_186 = arith.muli %add3A_184, %mul3A_185 : i32
        %dma_wait3A_187 = arith.constant 0 : i32
        %dma_wait3A_188 = tpu.memref_slice %arg5[%mul3A_186, %dma_wait3A_187] : memref<819200x128xf32, #tpu.memory_space<hbm>> -> memref<200x128xf32, #tpu.memory_space<hbm>>
        %dma_wait3A_189 = arith.constant 0 : i32
        %dma_wait3A_190 = tpu.memref_slice %arg5[%mul3A_186, %dma_wait3A_189] : memref<819200x128xf32, #tpu.memory_space<hbm>> -> memref<200x128xf32, #tpu.memory_space<hbm>>
        tpu.wait_dma2 semaphore(%arg26 : memref<!tpu.dma_semaphore, #tpu.memory_space<semaphore_mem>>) src(%arg13 : memref<200x128xf32, #tpu.memory_space<vmem>>) dst(%dma_wait3A_190 : memref<200x128xf32, #tpu.memory_space<hbm>>)
        %add3A_191 = arith.constant 2 : i32
        %add3A_192 = arith.addi %add3A_93, %add3A_191 : i32
        %add3A_193 = arith.addi %mul3A_2, %add3A_192 : i32
        %mul3A_194 = arith.constant 200 : i32
        %mul3A_195 = arith.muli %add3A_193, %mul3A_194 : i32
        %dma_wait3A_196 = tpu.memref_slice %arg2[%mul3A_195] : memref<819200xi32, #tpu.memory_space<hbm>> -> memref<200xi32, #tpu.memory_space<hbm>>
        %dma_wait3A_197 = tpu.memref_slice %arg2[%mul3A_195] : memref<819200xi32, #tpu.memory_space<hbm>> -> memref<200xi32, #tpu.memory_space<hbm>>
        tpu.wait_dma2 semaphore(%arg22 : memref<!tpu.dma_semaphore, #tpu.memory_space<semaphore_mem>>) src(%dma_wait3A_197 : memref<200xi32, #tpu.memory_space<hbm>>) dst(%arg9 : memref<200xi32, #tpu.memory_space<vmem>>)
      } else {
      }
      %dma_start3A_107 = arith.constant 0 : i32
      %dma_start3A_108 = arith.constant 0 : i32
      %dma_start3A_109 = tpu.memref_slice %arg3[%dma_start3A_107, %dma_start3A_108] : memref<100000x128xf32, #tpu.memory_space<hbm>> -> memref<100000x128xf32, #tpu.memory_space<hbm>>
      tpu.enqueue_indirect_dma source(%dma_start3A_109 : memref<100000x128xf32, #tpu.memory_space<hbm>>) target(%arg13 : memref<200x128xf32, #tpu.memory_space<vmem>>) offsets(%arg9 : memref<200xi32, #tpu.memory_space<vmem>>) semaphore(%arg18 : memref<!tpu.dma_semaphore, #tpu.memory_space<semaphore_mem>>)
      %scan3A_110 = arith.constant 0 : i32
      %scan3A_111 = arith.constant 0 : i32
      %scan3A_112 = arith.constant 200 : i32
      %scan3A_113 = arith.addi %scan3A_111, %scan3A_112 : i32
      %scan3A_114 = arith.constant 1 : i32
      scf.for %scan3A_183 = %scan3A_111 to %scan3A_113 step %scan3A_114  : i32 {
        %get3A = arith.index_cast %scan3A_183 : i32 to index
        %get3A_184 = arith.constant 0 : index
        %get3A_185 = tpu.vector_load %arg14[%get3A, %get3A_184] {strides = array<i32>} : memref<200x128xf32, #tpu.memory_space<vmem>>, vector<1x16xf32>,
        %get3A_186 = vector.shape_cast %get3A_185 : vector<1x16xf32> to vector<16xf32>
        %swap3A = arith.index_cast %scan3A_183 : i32 to index
        %swap3A_187 = arith.constant 0 : index
        %swap3A_188 = tpu.vector_load %arg11[%swap3A, %swap3A_187] {strides = array<i32>} : memref<200x128xf32, #tpu.memory_space<vmem>>, vector<1x16xf32>,
        %swap3A_189 = vector.shape_cast %swap3A_188 : vector<1x16xf32> to vector<16xf32>
        %swap3A_190 = vector.shape_cast %get3A_186 : vector<16xf32> to vector<1x16xf32>
        tpu.vector_store %arg11[%swap3A, %swap3A_187], %swap3A_190 {add = true, strides = array<i32>} : memref<200x128xf32, #tpu.memory_space<vmem>>, vector<1x16xf32>,
        %get3A_191 = arith.index_cast %scan3A_183 : i32 to index
        %get3A_192 = arith.constant 16 : index
        %get3A_193 = tpu.vector_load %arg14[%get3A_191, %get3A_192] {strides = array<i32>} : memref<200x128xf32, #tpu.memory_space<vmem>>, vector<1x16xf32>,
        %get3A_194 = vector.shape_cast %get3A_193 : vector<1x16xf32> to vector<16xf32>
        %swap3A_195 = arith.index_cast %scan3A_183 : i32 to index
        %swap3A_196 = arith.constant 16 : index
        %swap3A_197 = tpu.vector_load %arg11[%swap3A_195, %swap3A_196] {strides = array<i32>} : memref<200x128xf32, #tpu.memory_space<vmem>>, vector<1x16xf32>,
        %swap3A_198 = vector.shape_cast %swap3A_197 : vector<1x16xf32> to vector<16xf32>
        %swap3A_199 = vector.shape_cast %get3A_194 : vector<16xf32> to vector<1x16xf32>
        tpu.vector_store %arg11[%swap3A_195, %swap3A_196], %swap3A_199 {add = true, strides = array<i32>} : memref<200x128xf32, #tpu.memory_space<vmem>>, vector<1x16xf32>,
        %get3A_200 = arith.index_cast %scan3A_183 : i32 to index
        %get3A_201 = arith.constant 32 : index
        %get3A_202 = tpu.vector_load %arg14[%get3A_200, %get3A_201] {strides = array<i32>} : memref<200x128xf32, #tpu.memory_space<vmem>>, vector<1x16xf32>,
        %get3A_203 = vector.shape_cast %get3A_202 : vector<1x16xf32> to vector<16xf32>
        %swap3A_204 = arith.index_cast %scan3A_183 : i32 to index
        %swap3A_205 = arith.constant 32 : index
        %swap3A_206 = tpu.vector_load %arg11[%swap3A_204, %swap3A_205] {strides = array<i32>} : memref<200x128xf32, #tpu.memory_space<vmem>>, vector<1x16xf32>,
        %swap3A_207 = vector.shape_cast %swap3A_206 : vector<1x16xf32> to vector<16xf32>
        %swap3A_208 = vector.shape_cast %get3A_203 : vector<16xf32> to vector<1x16xf32>
        tpu.vector_store %arg11[%swap3A_204, %swap3A_205], %swap3A_208 {add = true, strides = array<i32>} : memref<200x128xf32, #tpu.memory_space<vmem>>, vector<1x16xf32>,
        %get3A_209 = arith.index_cast %scan3A_183 : i32 to index
        %get3A_210 = arith.constant 48 : index
        %get3A_211 = tpu.vector_load %arg14[%get3A_209, %get3A_210] {strides = array<i32>} : memref<200x128xf32, #tpu.memory_space<vmem>>, vector<1x16xf32>,
        %get3A_212 = vector.shape_cast %get3A_211 : vector<1x16xf32> to vector<16xf32>
        %swap3A_213 = arith.index_cast %scan3A_183 : i32 to index
        %swap3A_214 = arith.constant 48 : index
        %swap3A_215 = tpu.vector_load %arg11[%swap3A_213, %swap3A_214] {strides = array<i32>} : memref<200x128xf32, #tpu.memory_space<vmem>>, vector<1x16xf32>,
        %swap3A_216 = vector.shape_cast %swap3A_215 : vector<1x16xf32> to vector<16xf32>
        %swap3A_217 = vector.shape_cast %get3A_212 : vector<16xf32> to vector<1x16xf32>
        tpu.vector_store %arg11[%swap3A_213, %swap3A_214], %swap3A_217 {add = true, strides = array<i32>} : memref<200x128xf32, #tpu.memory_space<vmem>>, vector<1x16xf32>,
        %get3A_218 = arith.index_cast %scan3A_183 : i32 to index
        %get3A_219 = arith.constant 64 : index
        %get3A_220 = tpu.vector_load %arg14[%get3A_218, %get3A_219] {strides = array<i32>} : memref<200x128xf32, #tpu.memory_space<vmem>>, vector<1x16xf32>,
        %get3A_221 = vector.shape_cast %get3A_220 : vector<1x16xf32> to vector<16xf32>
        %swap3A_222 = arith.index_cast %scan3A_183 : i32 to index
        %swap3A_223 = arith.constant 64 : index
        %swap3A_224 = tpu.vector_load %arg11[%swap3A_222, %swap3A_223] {strides = array<i32>} : memref<200x128xf32, #tpu.memory_space<vmem>>, vector<1x16xf32>,
        %swap3A_225 = vector.shape_cast %swap3A_224 : vector<1x16xf32> to vector<16xf32>
        %swap3A_226 = vector.shape_cast %get3A_221 : vector<16xf32> to vector<1x16xf32>
        tpu.vector_store %arg11[%swap3A_222, %swap3A_223], %swap3A_226 {add = true, strides = array<i32>} : memref<200x128xf32, #tpu.memory_space<vmem>>, vector<1x16xf32>,
        %get3A_227 = arith.index_cast %scan3A_183 : i32 to index
        %get3A_228 = arith.constant 80 : index
        %get3A_229 = tpu.vector_load %arg14[%get3A_227, %get3A_228] {strides = array<i32>} : memref<200x128xf32, #tpu.memory_space<vmem>>, vector<1x16xf32>,
        %get3A_230 = vector.shape_cast %get3A_229 : vector<1x16xf32> to vector<16xf32>
        %swap3A_231 = arith.index_cast %scan3A_183 : i32 to index
        %swap3A_232 = arith.constant 80 : index
        %swap3A_233 = tpu.vector_load %arg11[%swap3A_231, %swap3A_232] {strides = array<i32>} : memref<200x128xf32, #tpu.memory_space<vmem>>, vector<1x16xf32>,
        %swap3A_234 = vector.shape_cast %swap3A_233 : vector<1x16xf32> to vector<16xf32>
        %swap3A_235 = vector.shape_cast %get3A_230 : vector<16xf32> to vector<1x16xf32>
        tpu.vector_store %arg11[%swap3A_231, %swap3A_232], %swap3A_235 {add = true, strides = array<i32>} : memref<200x128xf32, #tpu.memory_space<vmem>>, vector<1x16xf32>,
        %get3A_236 = arith.index_cast %scan3A_183 : i32 to index
        %get3A_237 = arith.constant 96 : index
        %get3A_238 = tpu.vector_load %arg14[%get3A_236, %get3A_237] {strides = array<i32>} : memref<200x128xf32, #tpu.memory_space<vmem>>, vector<1x16xf32>,
        %get3A_239 = vector.shape_cast %get3A_238 : vector<1x16xf32> to vector<16xf32>
        %swap3A_240 = arith.index_cast %scan3A_183 : i32 to index
        %swap3A_241 = arith.constant 96 : index
        %swap3A_242 = tpu.vector_load %arg11[%swap3A_240, %swap3A_241] {strides = array<i32>} : memref<200x128xf32, #tpu.memory_space<vmem>>, vector<1x16xf32>,
        %swap3A_243 = vector.shape_cast %swap3A_242 : vector<1x16xf32> to vector<16xf32>
        %swap3A_244 = vector.shape_cast %get3A_239 : vector<16xf32> to vector<1x16xf32>
        tpu.vector_store %arg11[%swap3A_240, %swap3A_241], %swap3A_244 {add = true, strides = array<i32>} : memref<200x128xf32, #tpu.memory_space<vmem>>, vector<1x16xf32>,
        %get3A_245 = arith.index_cast %scan3A_183 : i32 to index
        %get3A_246 = arith.constant 112 : index
        %get3A_247 = tpu.vector_load %arg14[%get3A_245, %get3A_246] {strides = array<i32>} : memref<200x128xf32, #tpu.memory_space<vmem>>, vector<1x16xf32>,
        %get3A_248 = vector.shape_cast %get3A_247 : vector<1x16xf32> to vector<16xf32>
        %swap3A_249 = arith.index_cast %scan3A_183 : i32 to index
        %swap3A_250 = arith.constant 112 : index
        %swap3A_251 = tpu.vector_load %arg11[%swap3A_249, %swap3A_250] {strides = array<i32>} : memref<200x128xf32, #tpu.memory_space<vmem>>, vector<1x16xf32>,
        %swap3A_252 = vector.shape_cast %swap3A_251 : vector<1x16xf32> to vector<16xf32>
        %swap3A_253 = vector.shape_cast %get3A_248 : vector<16xf32> to vector<1x16xf32>
        tpu.vector_store %arg11[%swap3A_249, %swap3A_250], %swap3A_253 {add = true, strides = array<i32>} : memref<200x128xf32, #tpu.memory_space<vmem>>, vector<1x16xf32>,
      }
      %scan3A_115 = arith.constant 200 : i32
      %add3A_116 = arith.addi %mul3A_2, %add3A_93 : i32
      %mul3A_117 = arith.constant 200 : i32
      %mul3A_118 = arith.muli %add3A_116, %mul3A_117 : i32
      %dma_start3A_119 = arith.constant 0 : i32
      %dma_start3A_120 = tpu.memref_slice %arg5[%mul3A_118, %dma_start3A_119] : memref<819200x128xf32, #tpu.memory_space<hbm>> -> memref<200x128xf32, #tpu.memory_space<hbm>>
      %dma_start3A_121 = arith.constant 0 : i32
      %dma_start3A_122 = tpu.memref_slice %arg5[%mul3A_118, %dma_start3A_121] : memref<819200x128xf32, #tpu.memory_space<hbm>> -> memref<200x128xf32, #tpu.memory_space<hbm>>
      tpu.enqueue_dma source(%arg11 : memref<200x128xf32, #tpu.memory_space<vmem>>) target(%dma_start3A_122 : memref<200x128xf32, #tpu.memory_space<hbm>>) target_semaphore(%arg24 : memref<!tpu.dma_semaphore, #tpu.memory_space<semaphore_mem>>)
      %mul3A_123 = arith.constant 4 : i32
      %mul3A_124 = arith.muli %mul3A_123, %scan3A_60 : i32
      %add3A_125 = arith.constant 2 : i32
      %add3A_126 = arith.addi %mul3A_124, %add3A_125 : i32
      %dma_wait3A_127 = arith.constant 0 : i32
      %dma_wait3A_128 = arith.constant 0 : i32
      %dma_wait3A_129 = tpu.memref_slice %arg3[%dma_wait3A_127, %dma_wait3A_128] : memref<100000x128xf32, #tpu.memory_space<hbm>> -> memref<100000x128xf32, #tpu.memory_space<hbm>>
      tpu.wait_indirect_dma semaphore(%arg17 : memref<!tpu.dma_semaphore, #tpu.memory_space<semaphore_mem>>) src(%dma_wait3A_129 : memref<100000x128xf32, #tpu.memory_space<hbm>>) dst(%arg12 : memref<200x128xf32, #tpu.memory_space<vmem>>)
      %le3A_130 = arith.constant 30 : i32
      %le3A_131 = arith.cmpi sle, %scan3A_60, %le3A_130 : i32
      %convert_element_type3A_132 = arith.extui %le3A_131 : i1 to i32
      %cond3A_133 = arith.constant 0 : i32
      %cond3A_134 = arith.cmpi ne, %convert_element_type3A_132, %cond3A_133 : i32
      scf.if %cond3A_134 {
        %add3A_183 = arith.constant 4 : i32
        %add3A_184 = arith.addi %add3A_126, %add3A_183 : i32
        %add3A_185 = arith.addi %mul3A_2, %add3A_184 : i32
        %mul3A_186 = arith.constant 200 : i32
        %mul3A_187 = arith.muli %add3A_185, %mul3A_186 : i32
        %dma_start3A_188 = tpu.memref_slice %arg2[%mul3A_187] : memref<819200xi32, #tpu.memory_space<hbm>> -> memref<200xi32, #tpu.memory_space<hbm>>
        %dma_start3A_189 = tpu.memref_slice %arg2[%mul3A_187] : memref<819200xi32, #tpu.memory_space<hbm>> -> memref<200xi32, #tpu.memory_space<hbm>>
        tpu.enqueue_dma source(%dma_start3A_189 : memref<200xi32, #tpu.memory_space<hbm>>) target(%arg8 : memref<200xi32, #tpu.memory_space<vmem>>) target_semaphore(%arg21 : memref<!tpu.dma_semaphore, #tpu.memory_space<semaphore_mem>>)
      } else {
      }
      %le3A_135 = arith.constant 30 : i32
      %le3A_136 = arith.cmpi sle, %scan3A_60, %le3A_135 : i32
      %convert_element_type3A_137 = arith.extui %le3A_136 : i1 to i32
      %cond3A_138 = arith.constant 0 : i32
      %cond3A_139 = arith.cmpi ne, %convert_element_type3A_137, %cond3A_138 : i32
      scf.if %cond3A_139 {
        %sub3A = arith.constant 2 : i32
        %sub3A_183 = arith.subi %add3A_126, %sub3A : i32
        %add3A_184 = arith.addi %mul3A_2, %sub3A_183 : i32
        %mul3A_185 = arith.constant 200 : i32
        %mul3A_186 = arith.muli %add3A_184, %mul3A_185 : i32
        %dma_wait3A_187 = arith.constant 0 : i32
        %dma_wait3A_188 = tpu.memref_slice %arg5[%mul3A_186, %dma_wait3A_187] : memref<819200x128xf32, #tpu.memory_space<hbm>> -> memref<200x128xf32, #tpu.memory_space<hbm>>
        %dma_wait3A_189 = arith.constant 0 : i32
        %dma_wait3A_190 = tpu.memref_slice %arg5[%mul3A_186, %dma_wait3A_189] : memref<819200x128xf32, #tpu.memory_space<hbm>> -> memref<200x128xf32, #tpu.memory_space<hbm>>
        tpu.wait_dma2 semaphore(%arg23 : memref<!tpu.dma_semaphore, #tpu.memory_space<semaphore_mem>>) src(%arg10 : memref<200x128xf32, #tpu.memory_space<vmem>>) dst(%dma_wait3A_190 : memref<200x128xf32, #tpu.memory_space<hbm>>)
        %add3A_191 = arith.constant 2 : i32
        %add3A_192 = arith.addi %add3A_126, %add3A_191 : i32
        %add3A_193 = arith.addi %mul3A_2, %add3A_192 : i32
        %mul3A_194 = arith.constant 200 : i32
        %mul3A_195 = arith.muli %add3A_193, %mul3A_194 : i32
        %dma_wait3A_196 = tpu.memref_slice %arg2[%mul3A_195] : memref<819200xi32, #tpu.memory_space<hbm>> -> memref<200xi32, #tpu.memory_space<hbm>>
        %dma_wait3A_197 = tpu.memref_slice %arg2[%mul3A_195] : memref<819200xi32, #tpu.memory_space<hbm>> -> memref<200xi32, #tpu.memory_space<hbm>>
        tpu.wait_dma2 semaphore(%arg19 : memref<!tpu.dma_semaphore, #tpu.memory_space<semaphore_mem>>) src(%dma_wait3A_197 : memref<200xi32, #tpu.memory_space<hbm>>) dst(%arg6 : memref<200xi32, #tpu.memory_space<vmem>>)
        %dma_start3A_198 = arith.constant 0 : i32
        %dma_start3A_199 = arith.constant 0 : i32
        %dma_start3A_200 = tpu.memref_slice %arg3[%dma_start3A_198, %dma_start3A_199] : memref<100000x128xf32, #tpu.memory_space<hbm>> -> memref<100000x128xf32, #tpu.memory_space<hbm>>
        tpu.enqueue_indirect_dma source(%dma_start3A_200 : memref<100000x128xf32, #tpu.memory_space<hbm>>) target(%arg10 : memref<200x128xf32, #tpu.memory_space<vmem>>) offsets(%arg6 : memref<200xi32, #tpu.memory_space<vmem>>) semaphore(%arg15 : memref<!tpu.dma_semaphore, #tpu.memory_space<semaphore_mem>>)
      } else {
      }
      %scan3A_140 = arith.constant 0 : i32
      %scan3A_141 = arith.constant 0 : i32
      %scan3A_142 = arith.constant 200 : i32
      %scan3A_143 = arith.addi %scan3A_141, %scan3A_142 : i32
      %scan3A_144 = arith.constant 1 : i32
      scf.for %scan3A_183 = %scan3A_141 to %scan3A_143 step %scan3A_144  : i32 {
        %get3A = arith.index_cast %scan3A_183 : i32 to index
        %get3A_184 = arith.constant 0 : index
        %get3A_185 = tpu.vector_load %arg14[%get3A, %get3A_184] {strides = array<i32>} : memref<200x128xf32, #tpu.memory_space<vmem>>, vector<1x16xf32>,
        %get3A_186 = vector.shape_cast %get3A_185 : vector<1x16xf32> to vector<16xf32>
        %swap3A = arith.index_cast %scan3A_183 : i32 to index
        %swap3A_187 = arith.constant 0 : index
        %swap3A_188 = tpu.vector_load %arg12[%swap3A, %swap3A_187] {strides = array<i32>} : memref<200x128xf32, #tpu.memory_space<vmem>>, vector<1x16xf32>,
        %swap3A_189 = vector.shape_cast %swap3A_188 : vector<1x16xf32> to vector<16xf32>
        %swap3A_190 = vector.shape_cast %get3A_186 : vector<16xf32> to vector<1x16xf32>
        tpu.vector_store %arg12[%swap3A, %swap3A_187], %swap3A_190 {add = true, strides = array<i32>} : memref<200x128xf32, #tpu.memory_space<vmem>>, vector<1x16xf32>,
        %get3A_191 = arith.index_cast %scan3A_183 : i32 to index
        %get3A_192 = arith.constant 16 : index
        %get3A_193 = tpu.vector_load %arg14[%get3A_191, %get3A_192] {strides = array<i32>} : memref<200x128xf32, #tpu.memory_space<vmem>>, vector<1x16xf32>,
        %get3A_194 = vector.shape_cast %get3A_193 : vector<1x16xf32> to vector<16xf32>
        %swap3A_195 = arith.index_cast %scan3A_183 : i32 to index
        %swap3A_196 = arith.constant 16 : index
        %swap3A_197 = tpu.vector_load %arg12[%swap3A_195, %swap3A_196] {strides = array<i32>} : memref<200x128xf32, #tpu.memory_space<vmem>>, vector<1x16xf32>,
        %swap3A_198 = vector.shape_cast %swap3A_197 : vector<1x16xf32> to vector<16xf32>
        %swap3A_199 = vector.shape_cast %get3A_194 : vector<16xf32> to vector<1x16xf32>
        tpu.vector_store %arg12[%swap3A_195, %swap3A_196], %swap3A_199 {add = true, strides = array<i32>} : memref<200x128xf32, #tpu.memory_space<vmem>>, vector<1x16xf32>,
        %get3A_200 = arith.index_cast %scan3A_183 : i32 to index
        %get3A_201 = arith.constant 32 : index
        %get3A_202 = tpu.vector_load %arg14[%get3A_200, %get3A_201] {strides = array<i32>} : memref<200x128xf32, #tpu.memory_space<vmem>>, vector<1x16xf32>,
        %get3A_203 = vector.shape_cast %get3A_202 : vector<1x16xf32> to vector<16xf32>
        %swap3A_204 = arith.index_cast %scan3A_183 : i32 to index
        %swap3A_205 = arith.constant 32 : index
        %swap3A_206 = tpu.vector_load %arg12[%swap3A_204, %swap3A_205] {strides = array<i32>} : memref<200x128xf32, #tpu.memory_space<vmem>>, vector<1x16xf32>,
        %swap3A_207 = vector.shape_cast %swap3A_206 : vector<1x16xf32> to vector<16xf32>
        %swap3A_208 = vector.shape_cast %get3A_203 : vector<16xf32> to vector<1x16xf32>
        tpu.vector_store %arg12[%swap3A_204, %swap3A_205], %swap3A_208 {add = true, strides = array<i32>} : memref<200x128xf32, #tpu.memory_space<vmem>>, vector<1x16xf32>,
        %get3A_209 = arith.index_cast %scan3A_183 : i32 to index
        %get3A_210 = arith.constant 48 : index
        %get3A_211 = tpu.vector_load %arg14[%get3A_209, %get3A_210] {strides = array<i32>} : memref<200x128xf32, #tpu.memory_space<vmem>>, vector<1x16xf32>,
        %get3A_212 = vector.shape_cast %get3A_211 : vector<1x16xf32> to vector<16xf32>
        %swap3A_213 = arith.index_cast %scan3A_183 : i32 to index
        %swap3A_214 = arith.constant 48 : index
        %swap3A_215 = tpu.vector_load %arg12[%swap3A_213, %swap3A_214] {strides = array<i32>} : memref<200x128xf32, #tpu.memory_space<vmem>>, vector<1x16xf32>,
        %swap3A_216 = vector.shape_cast %swap3A_215 : vector<1x16xf32> to vector<16xf32>
        %swap3A_217 = vector.shape_cast %get3A_212 : vector<16xf32> to vector<1x16xf32>
        tpu.vector_store %arg12[%swap3A_213, %swap3A_214], %swap3A_217 {add = true, strides = array<i32>} : memref<200x128xf32, #tpu.memory_space<vmem>>, vector<1x16xf32>,
        %get3A_218 = arith.index_cast %scan3A_183 : i32 to index
        %get3A_219 = arith.constant 64 : index
        %get3A_220 = tpu.vector_load %arg14[%get3A_218, %get3A_219] {strides = array<i32>} : memref<200x128xf32, #tpu.memory_space<vmem>>, vector<1x16xf32>,
        %get3A_221 = vector.shape_cast %get3A_220 : vector<1x16xf32> to vector<16xf32>
        %swap3A_222 = arith.index_cast %scan3A_183 : i32 to index
        %swap3A_223 = arith.constant 64 : index
        %swap3A_224 = tpu.vector_load %arg12[%swap3A_222, %swap3A_223] {strides = array<i32>} : memref<200x128xf32, #tpu.memory_space<vmem>>, vector<1x16xf32>,
        %swap3A_225 = vector.shape_cast %swap3A_224 : vector<1x16xf32> to vector<16xf32>
        %swap3A_226 = vector.shape_cast %get3A_221 : vector<16xf32> to vector<1x16xf32>
        tpu.vector_store %arg12[%swap3A_222, %swap3A_223], %swap3A_226 {add = true, strides = array<i32>} : memref<200x128xf32, #tpu.memory_space<vmem>>, vector<1x16xf32>,
        %get3A_227 = arith.index_cast %scan3A_183 : i32 to index
        %get3A_228 = arith.constant 80 : index
        %get3A_229 = tpu.vector_load %arg14[%get3A_227, %get3A_228] {strides = array<i32>} : memref<200x128xf32, #tpu.memory_space<vmem>>, vector<1x16xf32>,
        %get3A_230 = vector.shape_cast %get3A_229 : vector<1x16xf32> to vector<16xf32>
        %swap3A_231 = arith.index_cast %scan3A_183 : i32 to index
        %swap3A_232 = arith.constant 80 : index
        %swap3A_233 = tpu.vector_load %arg12[%swap3A_231, %swap3A_232] {strides = array<i32>} : memref<200x128xf32, #tpu.memory_space<vmem>>, vector<1x16xf32>,
        %swap3A_234 = vector.shape_cast %swap3A_233 : vector<1x16xf32> to vector<16xf32>
        %swap3A_235 = vector.shape_cast %get3A_230 : vector<16xf32> to vector<1x16xf32>
        tpu.vector_store %arg12[%swap3A_231, %swap3A_232], %swap3A_235 {add = true, strides = array<i32>} : memref<200x128xf32, #tpu.memory_space<vmem>>, vector<1x16xf32>,
        %get3A_236 = arith.index_cast %scan3A_183 : i32 to index
        %get3A_237 = arith.constant 96 : index
        %get3A_238 = tpu.vector_load %arg14[%get3A_236, %get3A_237] {strides = array<i32>} : memref<200x128xf32, #tpu.memory_space<vmem>>, vector<1x16xf32>,
        %get3A_239 = vector.shape_cast %get3A_238 : vector<1x16xf32> to vector<16xf32>
        %swap3A_240 = arith.index_cast %scan3A_183 : i32 to index
        %swap3A_241 = arith.constant 96 : index
        %swap3A_242 = tpu.vector_load %arg12[%swap3A_240, %swap3A_241] {strides = array<i32>} : memref<200x128xf32, #tpu.memory_space<vmem>>, vector<1x16xf32>,
        %swap3A_243 = vector.shape_cast %swap3A_242 : vector<1x16xf32> to vector<16xf32>
        %swap3A_244 = vector.shape_cast %get3A_239 : vector<16xf32> to vector<1x16xf32>
        tpu.vector_store %arg12[%swap3A_240, %swap3A_241], %swap3A_244 {add = true, strides = array<i32>} : memref<200x128xf32, #tpu.memory_space<vmem>>, vector<1x16xf32>,
        %get3A_245 = arith.index_cast %scan3A_183 : i32 to index
        %get3A_246 = arith.constant 112 : index
        %get3A_247 = tpu.vector_load %arg14[%get3A_245, %get3A_246] {strides = array<i32>} : memref<200x128xf32, #tpu.memory_space<vmem>>, vector<1x16xf32>,
        %get3A_248 = vector.shape_cast %get3A_247 : vector<1x16xf32> to vector<16xf32>
        %swap3A_249 = arith.index_cast %scan3A_183 : i32 to index
        %swap3A_250 = arith.constant 112 : index
        %swap3A_251 = tpu.vector_load %arg12[%swap3A_249, %swap3A_250] {strides = array<i32>} : memref<200x128xf32, #tpu.memory_space<vmem>>, vector<1x16xf32>,
        %swap3A_252 = vector.shape_cast %swap3A_251 : vector<1x16xf32> to vector<16xf32>
        %swap3A_253 = vector.shape_cast %get3A_248 : vector<16xf32> to vector<1x16xf32>
        tpu.vector_store %arg12[%swap3A_249, %swap3A_250], %swap3A_253 {add = true, strides = array<i32>} : memref<200x128xf32, #tpu.memory_space<vmem>>, vector<1x16xf32>,
      }
      %scan3A_145 = arith.constant 200 : i32
      %add3A_146 = arith.addi %mul3A_2, %add3A_126 : i32
      %mul3A_147 = arith.constant 200 : i32
      %mul3A_148 = arith.muli %add3A_146, %mul3A_147 : i32
      %dma_start3A_149 = arith.constant 0 : i32
      %dma_start3A_150 = tpu.memref_slice %arg5[%mul3A_148, %dma_start3A_149] : memref<819200x128xf32, #tpu.memory_space<hbm>> -> memref<200x128xf32, #tpu.memory_space<hbm>>
      %dma_start3A_151 = arith.constant 0 : i32
      %dma_start3A_152 = tpu.memref_slice %arg5[%mul3A_148, %dma_start3A_151] : memref<819200x128xf32, #tpu.memory_space<hbm>> -> memref<200x128xf32, #tpu.memory_space<hbm>>
      tpu.enqueue_dma source(%arg12 : memref<200x128xf32, #tpu.memory_space<vmem>>) target(%dma_start3A_152 : memref<200x128xf32, #tpu.memory_space<hbm>>) target_semaphore(%arg25 : memref<!tpu.dma_semaphore, #tpu.memory_space<semaphore_mem>>)
      %mul3A_153 = arith.constant 4 : i32
      %mul3A_154 = arith.muli %mul3A_153, %scan3A_60 : i32
      %add3A_155 = arith.constant 3 : i32
      %add3A_156 = arith.addi %mul3A_154, %add3A_155 : i32
      %dma_wait3A_157 = arith.constant 0 : i32
      %dma_wait3A_158 = arith.constant 0 : i32
      %dma_wait3A_159 = tpu.memref_slice %arg3[%dma_wait3A_157, %dma_wait3A_158] : memref<100000x128xf32, #tpu.memory_space<hbm>> -> memref<100000x128xf32, #tpu.memory_space<hbm>>
      tpu.wait_indirect_dma semaphore(%arg18 : memref<!tpu.dma_semaphore, #tpu.memory_space<semaphore_mem>>) src(%dma_wait3A_159 : memref<100000x128xf32, #tpu.memory_space<hbm>>) dst(%arg13 : memref<200x128xf32, #tpu.memory_space<vmem>>)
      %le3A_160 = arith.constant 30 : i32
      %le3A_161 = arith.cmpi sle, %scan3A_60, %le3A_160 : i32
      %convert_element_type3A_162 = arith.extui %le3A_161 : i1 to i32
      %cond3A_163 = arith.constant 0 : i32
      %cond3A_164 = arith.cmpi ne, %convert_element_type3A_162, %cond3A_163 : i32
      scf.if %cond3A_164 {
        %add3A_183 = arith.constant 4 : i32
        %add3A_184 = arith.addi %add3A_156, %add3A_183 : i32
        %add3A_185 = arith.addi %mul3A_2, %add3A_184 : i32
        %mul3A_186 = arith.constant 200 : i32
        %mul3A_187 = arith.muli %add3A_185, %mul3A_186 : i32
        %dma_start3A_188 = tpu.memref_slice %arg2[%mul3A_187] : memref<819200xi32, #tpu.memory_space<hbm>> -> memref<200xi32, #tpu.memory_space<hbm>>
        %dma_start3A_189 = tpu.memref_slice %arg2[%mul3A_187] : memref<819200xi32, #tpu.memory_space<hbm>> -> memref<200xi32, #tpu.memory_space<hbm>>
        tpu.enqueue_dma source(%dma_start3A_189 : memref<200xi32, #tpu.memory_space<hbm>>) target(%arg9 : memref<200xi32, #tpu.memory_space<vmem>>) target_semaphore(%arg22 : memref<!tpu.dma_semaphore, #tpu.memory_space<semaphore_mem>>)
      } else {
      }
      %le3A_165 = arith.constant 30 : i32
      %le3A_166 = arith.cmpi sle, %scan3A_60, %le3A_165 : i32
      %convert_element_type3A_167 = arith.extui %le3A_166 : i1 to i32
      %cond3A_168 = arith.constant 0 : i32
      %cond3A_169 = arith.cmpi ne, %convert_element_type3A_167, %cond3A_168 : i32
      scf.if %cond3A_169 {
        %sub3A = arith.constant 2 : i32
        %sub3A_183 = arith.subi %add3A_156, %sub3A : i32
        %add3A_184 = arith.addi %mul3A_2, %sub3A_183 : i32
        %mul3A_185 = arith.constant 200 : i32
        %mul3A_186 = arith.muli %add3A_184, %mul3A_185 : i32
        %dma_wait3A_187 = arith.constant 0 : i32
        %dma_wait3A_188 = tpu.memref_slice %arg5[%mul3A_186, %dma_wait3A_187] : memref<819200x128xf32, #tpu.memory_space<hbm>> -> memref<200x128xf32, #tpu.memory_space<hbm>>
        %dma_wait3A_189 = arith.constant 0 : i32
        %dma_wait3A_190 = tpu.memref_slice %arg5[%mul3A_186, %dma_wait3A_189] : memref<819200x128xf32, #tpu.memory_space<hbm>> -> memref<200x128xf32, #tpu.memory_space<hbm>>
        tpu.wait_dma2 semaphore(%arg24 : memref<!tpu.dma_semaphore, #tpu.memory_space<semaphore_mem>>) src(%arg11 : memref<200x128xf32, #tpu.memory_space<vmem>>) dst(%dma_wait3A_190 : memref<200x128xf32, #tpu.memory_space<hbm>>)
        %add3A_191 = arith.constant 2 : i32
        %add3A_192 = arith.addi %add3A_156, %add3A_191 : i32
        %add3A_193 = arith.addi %mul3A_2, %add3A_192 : i32
        %mul3A_194 = arith.constant 200 : i32
        %mul3A_195 = arith.muli %add3A_193, %mul3A_194 : i32
        %dma_wait3A_196 = tpu.memref_slice %arg2[%mul3A_195] : memref<819200xi32, #tpu.memory_space<hbm>> -> memref<200xi32, #tpu.memory_space<hbm>>
        %dma_wait3A_197 = tpu.memref_slice %arg2[%mul3A_195] : memref<819200xi32, #tpu.memory_space<hbm>> -> memref<200xi32, #tpu.memory_space<hbm>>
        tpu.wait_dma2 semaphore(%arg20 : memref<!tpu.dma_semaphore, #tpu.memory_space<semaphore_mem>>) src(%dma_wait3A_197 : memref<200xi32, #tpu.memory_space<hbm>>) dst(%arg7 : memref<200xi32, #tpu.memory_space<vmem>>)
        %dma_start3A_198 = arith.constant 0 : i32
        %dma_start3A_199 = arith.constant 0 : i32
        %dma_start3A_200 = tpu.memref_slice %arg3[%dma_start3A_198, %dma_start3A_199] : memref<100000x128xf32, #tpu.memory_space<hbm>> -> memref<100000x128xf32, #tpu.memory_space<hbm>>
        tpu.enqueue_indirect_dma source(%dma_start3A_200 : memref<100000x128xf32, #tpu.memory_space<hbm>>) target(%arg11 : memref<200x128xf32, #tpu.memory_space<vmem>>) offsets(%arg7 : memref<200xi32, #tpu.memory_space<vmem>>) semaphore(%arg16 : memref<!tpu.dma_semaphore, #tpu.memory_space<semaphore_mem>>)
      } else {
      }
      %scan3A_170 = arith.constant 0 : i32
      %scan3A_171 = arith.constant 0 : i32
      %scan3A_172 = arith.constant 200 : i32
      %scan3A_173 = arith.addi %scan3A_171, %scan3A_172 : i32
      %scan3A_174 = arith.constant 1 : i32
      scf.for %scan3A_183 = %scan3A_171 to %scan3A_173 step %scan3A_174  : i32 {
        %get3A = arith.index_cast %scan3A_183 : i32 to index
        %get3A_184 = arith.constant 0 : index
        %get3A_185 = tpu.vector_load %arg14[%get3A, %get3A_184] {strides = array<i32>} : memref<200x128xf32, #tpu.memory_space<vmem>>, vector<1x16xf32>,
        %get3A_186 = vector.shape_cast %get3A_185 : vector<1x16xf32> to vector<16xf32>
        %swap3A = arith.index_cast %scan3A_183 : i32 to index
        %swap3A_187 = arith.constant 0 : index
        %swap3A_188 = tpu.vector_load %arg13[%swap3A, %swap3A_187] {strides = array<i32>} : memref<200x128xf32, #tpu.memory_space<vmem>>, vector<1x16xf32>,
        %swap3A_189 = vector.shape_cast %swap3A_188 : vector<1x16xf32> to vector<16xf32>
        %swap3A_190 = vector.shape_cast %get3A_186 : vector<16xf32> to vector<1x16xf32>
        tpu.vector_store %arg13[%swap3A, %swap3A_187], %swap3A_190 {add = true, strides = array<i32>} : memref<200x128xf32, #tpu.memory_space<vmem>>, vector<1x16xf32>,
        %get3A_191 = arith.index_cast %scan3A_183 : i32 to index
        %get3A_192 = arith.constant 16 : index
        %get3A_193 = tpu.vector_load %arg14[%get3A_191, %get3A_192] {strides = array<i32>} : memref<200x128xf32, #tpu.memory_space<vmem>>, vector<1x16xf32>,
        %get3A_194 = vector.shape_cast %get3A_193 : vector<1x16xf32> to vector<16xf32>
        %swap3A_195 = arith.index_cast %scan3A_183 : i32 to index
        %swap3A_196 = arith.constant 16 : index
        %swap3A_197 = tpu.vector_load %arg13[%swap3A_195, %swap3A_196] {strides = array<i32>} : memref<200x128xf32, #tpu.memory_space<vmem>>, vector<1x16xf32>,
        %swap3A_198 = vector.shape_cast %swap3A_197 : vector<1x16xf32> to vector<16xf32>
        %swap3A_199 = vector.shape_cast %get3A_194 : vector<16xf32> to vector<1x16xf32>
        tpu.vector_store %arg13[%swap3A_195, %swap3A_196], %swap3A_199 {add = true, strides = array<i32>} : memref<200x128xf32, #tpu.memory_space<vmem>>, vector<1x16xf32>,
        %get3A_200 = arith.index_cast %scan3A_183 : i32 to index
        %get3A_201 = arith.constant 32 : index
        %get3A_202 = tpu.vector_load %arg14[%get3A_200, %get3A_201] {strides = array<i32>} : memref<200x128xf32, #tpu.memory_space<vmem>>, vector<1x16xf32>,
        %get3A_203 = vector.shape_cast %get3A_202 : vector<1x16xf32> to vector<16xf32>
        %swap3A_204 = arith.index_cast %scan3A_183 : i32 to index
        %swap3A_205 = arith.constant 32 : index
        %swap3A_206 = tpu.vector_load %arg13[%swap3A_204, %swap3A_205] {strides = array<i32>} : memref<200x128xf32, #tpu.memory_space<vmem>>, vector<1x16xf32>,
        %swap3A_207 = vector.shape_cast %swap3A_206 : vector<1x16xf32> to vector<16xf32>
        %swap3A_208 = vector.shape_cast %get3A_203 : vector<16xf32> to vector<1x16xf32>
        tpu.vector_store %arg13[%swap3A_204, %swap3A_205], %swap3A_208 {add = true, strides = array<i32>} : memref<200x128xf32, #tpu.memory_space<vmem>>, vector<1x16xf32>,
        %get3A_209 = arith.index_cast %scan3A_183 : i32 to index
        %get3A_210 = arith.constant 48 : index
        %get3A_211 = tpu.vector_load %arg14[%get3A_209, %get3A_210] {strides = array<i32>} : memref<200x128xf32, #tpu.memory_space<vmem>>, vector<1x16xf32>,
        %get3A_212 = vector.shape_cast %get3A_211 : vector<1x16xf32> to vector<16xf32>
        %swap3A_213 = arith.index_cast %scan3A_183 : i32 to index
        %swap3A_214 = arith.constant 48 : index
        %swap3A_215 = tpu.vector_load %arg13[%swap3A_213, %swap3A_214] {strides = array<i32>} : memref<200x128xf32, #tpu.memory_space<vmem>>, vector<1x16xf32>,
        %swap3A_216 = vector.shape_cast %swap3A_215 : vector<1x16xf32> to vector<16xf32>
        %swap3A_217 = vector.shape_cast %get3A_212 : vector<16xf32> to vector<1x16xf32>
        tpu.vector_store %arg13[%swap3A_213, %swap3A_214], %swap3A_217 {add = true, strides = array<i32>} : memref<200x128xf32, #tpu.memory_space<vmem>>, vector<1x16xf32>,
        %get3A_218 = arith.index_cast %scan3A_183 : i32 to index
        %get3A_219 = arith.constant 64 : index
        %get3A_220 = tpu.vector_load %arg14[%get3A_218, %get3A_219] {strides = array<i32>} : memref<200x128xf32, #tpu.memory_space<vmem>>, vector<1x16xf32>,
        %get3A_221 = vector.shape_cast %get3A_220 : vector<1x16xf32> to vector<16xf32>
        %swap3A_222 = arith.index_cast %scan3A_183 : i32 to index
        %swap3A_223 = arith.constant 64 : index
        %swap3A_224 = tpu.vector_load %arg13[%swap3A_222, %swap3A_223] {strides = array<i32>} : memref<200x128xf32, #tpu.memory_space<vmem>>, vector<1x16xf32>,
        %swap3A_225 = vector.shape_cast %swap3A_224 : vector<1x16xf32> to vector<16xf32>
        %swap3A_226 = vector.shape_cast %get3A_221 : vector<16xf32> to vector<1x16xf32>
        tpu.vector_store %arg13[%swap3A_222, %swap3A_223], %swap3A_226 {add = true, strides = array<i32>} : memref<200x128xf32, #tpu.memory_space<vmem>>, vector<1x16xf32>,
        %get3A_227 = arith.index_cast %scan3A_183 : i32 to index
        %get3A_228 = arith.constant 80 : index
        %get3A_229 = tpu.vector_load %arg14[%get3A_227, %get3A_228] {strides = array<i32>} : memref<200x128xf32, #tpu.memory_space<vmem>>, vector<1x16xf32>,
        %get3A_230 = vector.shape_cast %get3A_229 : vector<1x16xf32> to vector<16xf32>
        %swap3A_231 = arith.index_cast %scan3A_183 : i32 to index
        %swap3A_232 = arith.constant 80 : index
        %swap3A_233 = tpu.vector_load %arg13[%swap3A_231, %swap3A_232] {strides = array<i32>} : memref<200x128xf32, #tpu.memory_space<vmem>>, vector<1x16xf32>,
        %swap3A_234 = vector.shape_cast %swap3A_233 : vector<1x16xf32> to vector<16xf32>
        %swap3A_235 = vector.shape_cast %get3A_230 : vector<16xf32> to vector<1x16xf32>
        tpu.vector_store %arg13[%swap3A_231, %swap3A_232], %swap3A_235 {add = true, strides = array<i32>} : memref<200x128xf32, #tpu.memory_space<vmem>>, vector<1x16xf32>,
        %get3A_236 = arith.index_cast %scan3A_183 : i32 to index
        %get3A_237 = arith.constant 96 : index
        %get3A_238 = tpu.vector_load %arg14[%get3A_236, %get3A_237] {strides = array<i32>} : memref<200x128xf32, #tpu.memory_space<vmem>>, vector<1x16xf32>,
        %get3A_239 = vector.shape_cast %get3A_238 : vector<1x16xf32> to vector<16xf32>
        %swap3A_240 = arith.index_cast %scan3A_183 : i32 to index
        %swap3A_241 = arith.constant 96 : index
        %swap3A_242 = tpu.vector_load %arg13[%swap3A_240, %swap3A_241] {strides = array<i32>} : memref<200x128xf32, #tpu.memory_space<vmem>>, vector<1x16xf32>,
        %swap3A_243 = vector.shape_cast %swap3A_242 : vector<1x16xf32> to vector<16xf32>
        %swap3A_244 = vector.shape_cast %get3A_239 : vector<16xf32> to vector<1x16xf32>
        tpu.vector_store %arg13[%swap3A_240, %swap3A_241], %swap3A_244 {add = true, strides = array<i32>} : memref<200x128xf32, #tpu.memory_space<vmem>>, vector<1x16xf32>,
        %get3A_245 = arith.index_cast %scan3A_183 : i32 to index
        %get3A_246 = arith.constant 112 : index
        %get3A_247 = tpu.vector_load %arg14[%get3A_245, %get3A_246] {strides = array<i32>} : memref<200x128xf32, #tpu.memory_space<vmem>>, vector<1x16xf32>,
        %get3A_248 = vector.shape_cast %get3A_247 : vector<1x16xf32> to vector<16xf32>
        %swap3A_249 = arith.index_cast %scan3A_183 : i32 to index
        %swap3A_250 = arith.constant 112 : index
        %swap3A_251 = tpu.vector_load %arg13[%swap3A_249, %swap3A_250] {strides = array<i32>} : memref<200x128xf32, #tpu.memory_space<vmem>>, vector<1x16xf32>,
        %swap3A_252 = vector.shape_cast %swap3A_251 : vector<1x16xf32> to vector<16xf32>
        %swap3A_253 = vector.shape_cast %get3A_248 : vector<16xf32> to vector<1x16xf32>
        tpu.vector_store %arg13[%swap3A_249, %swap3A_250], %swap3A_253 {add = true, strides = array<i32>} : memref<200x128xf32, #tpu.memory_space<vmem>>, vector<1x16xf32>,
      }
      %scan3A_175 = arith.constant 200 : i32
      %add3A_176 = arith.addi %mul3A_2, %add3A_156 : i32
      %mul3A_177 = arith.constant 200 : i32
      %mul3A_178 = arith.muli %add3A_176, %mul3A_177 : i32
      %dma_start3A_179 = arith.constant 0 : i32
      %dma_start3A_180 = tpu.memref_slice %arg5[%mul3A_178, %dma_start3A_179] : memref<819200x128xf32, #tpu.memory_space<hbm>> -> memref<200x128xf32, #tpu.memory_space<hbm>>
      %dma_start3A_181 = arith.constant 0 : i32
      %dma_start3A_182 = tpu.memref_slice %arg5[%mul3A_178, %dma_start3A_181] : memref<819200x128xf32, #tpu.memory_space<hbm>> -> memref<200x128xf32, #tpu.memory_space<hbm>>
      tpu.enqueue_dma source(%arg13 : memref<200x128xf32, #tpu.memory_space<vmem>>) target(%dma_start3A_182 : memref<200x128xf32, #tpu.memory_space<hbm>>) target_semaphore(%arg26 : memref<!tpu.dma_semaphore, #tpu.memory_space<semaphore_mem>>)
    }
    %scan3A_28 = arith.constant 32 : i32
    %add3A_29 = arith.constant 124 : i32
    %add3A_30 = arith.addi %mul3A_2, %add3A_29 : i32
    %mul3A_31 = arith.constant 200 : i32
    %mul3A_32 = arith.muli %add3A_30, %mul3A_31 : i32
    %dma_wait3A = arith.constant 0 : i32
    %dma_wait3A_33 = tpu.memref_slice %arg5[%mul3A_32, %dma_wait3A] : memref<819200x128xf32, #tpu.memory_space<hbm>> -> memref<200x128xf32, #tpu.memory_space<hbm>>
    %dma_wait3A_34 = arith.constant 0 : i32
    %dma_wait3A_35 = tpu.memref_slice %arg5[%mul3A_32, %dma_wait3A_34] : memref<819200x128xf32, #tpu.memory_space<hbm>> -> memref<200x128xf32, #tpu.memory_space<hbm>>
    tpu.wait_dma2 semaphore(%arg23 : memref<!tpu.dma_semaphore, #tpu.memory_space<semaphore_mem>>) src(%arg10 : memref<200x128xf32, #tpu.memory_space<vmem>>) dst(%dma_wait3A_35 : memref<200x128xf32, #tpu.memory_space<hbm>>)
    %add3A_36 = arith.constant 125 : i32
    %add3A_37 = arith.addi %mul3A_2, %add3A_36 : i32
    %mul3A_38 = arith.constant 200 : i32
    %mul3A_39 = arith.muli %add3A_37, %mul3A_38 : i32
    %dma_wait3A_40 = arith.constant 0 : i32
    %dma_wait3A_41 = tpu.memref_slice %arg5[%mul3A_39, %dma_wait3A_40] : memref<819200x128xf32, #tpu.memory_space<hbm>> -> memref<200x128xf32, #tpu.memory_space<hbm>>
    %dma_wait3A_42 = arith.constant 0 : i32
    %dma_wait3A_43 = tpu.memref_slice %arg5[%mul3A_39, %dma_wait3A_42] : memref<819200x128xf32, #tpu.memory_space<hbm>> -> memref<200x128xf32, #tpu.memory_space<hbm>>
    tpu.wait_dma2 semaphore(%arg24 : memref<!tpu.dma_semaphore, #tpu.memory_space<semaphore_mem>>) src(%arg11 : memref<200x128xf32, #tpu.memory_space<vmem>>) dst(%dma_wait3A_43 : memref<200x128xf32, #tpu.memory_space<hbm>>)
    %add3A_44 = arith.constant 126 : i32
    %add3A_45 = arith.addi %mul3A_2, %add3A_44 : i32
    %mul3A_46 = arith.constant 200 : i32
    %mul3A_47 = arith.muli %add3A_45, %mul3A_46 : i32
    %dma_wait3A_48 = arith.constant 0 : i32
    %dma_wait3A_49 = tpu.memref_slice %arg5[%mul3A_47, %dma_wait3A_48] : memref<819200x128xf32, #tpu.memory_space<hbm>> -> memref<200x128xf32, #tpu.memory_space<hbm>>
    %dma_wait3A_50 = arith.constant 0 : i32
    %dma_wait3A_51 = tpu.memref_slice %arg5[%mul3A_47, %dma_wait3A_50] : memref<819200x128xf32, #tpu.memory_space<hbm>> -> memref<200x128xf32, #tpu.memory_space<hbm>>
    tpu.wait_dma2 semaphore(%arg25 : memref<!tpu.dma_semaphore, #tpu.memory_space<semaphore_mem>>) src(%arg12 : memref<200x128xf32, #tpu.memory_space<vmem>>) dst(%dma_wait3A_51 : memref<200x128xf32, #tpu.memory_space<hbm>>)
    %add3A_52 = arith.constant 127 : i32
    %add3A_53 = arith.addi %mul3A_2, %add3A_52 : i32
    %mul3A_54 = arith.constant 200 : i32
    %mul3A_55 = arith.muli %add3A_53, %mul3A_54 : i32
    %dma_wait3A_56 = arith.constant 0 : i32
    %dma_wait3A_57 = tpu.memref_slice %arg5[%mul3A_55, %dma_wait3A_56] : memref<819200x128xf32, #tpu.memory_space<hbm>> -> memref<200x128xf32, #tpu.memory_space<hbm>>
    %dma_wait3A_58 = arith.constant 0 : i32
    %dma_wait3A_59 = tpu.memref_slice %arg5[%mul3A_55, %dma_wait3A_58] : memref<819200x128xf32, #tpu.memory_space<hbm>> -> memref<200x128xf32, #tpu.memory_space<hbm>>
    tpu.wait_dma2 semaphore(%arg26 : memref<!tpu.dma_semaphore, #tpu.memory_space<semaphore_mem>>) src(%arg13 : memref<200x128xf32, #tpu.memory_space<vmem>>) dst(%dma_wait3A_59 : memref<200x128xf32, #tpu.memory_space<hbm>>)
    return
  }
}

</mosaic_0001>

<sc_bundles>
// kernel: _pos_embed.3.cloned.1.call-start
scs
__scs_entry_jumppad:
0x0: {  	(pc) =	sbr.rel $0x88, $3  }
0x1: {  	(tag) =	ssettag $0x0;
	lr =	simm.s32 $0x1  }
0x2: {  	[smem:$0x3F9E] =	sst lr;
	_ =	strace $0xD0000000  }
0x3: {  	_ = 	snop  }
0x4: {  	_ = 	snop  }
0x5: {  	_ = 	snop  }
0x6: {  	_ = 	snop  }
0x7: {  	_ = 	snop  }
__scs_overlays_trampoline_lowered:
0x8: {  	[smem:$0x3FAD] =	sst s0  }
0x9: {  	[smem:$0x3FAE] =	sst s1  }
0xa: {  	[smem:$0x3FAF] =	sst s2  }
0xb: {  	[smem:$0x3FB0] =	sst s3  }
0xc: {  	[smem:$0x3FB1] =	sst s4  }
0xd: {  	[smem:$0x3FB2] =	sst s5  }
0xe: {  	[smem:$0x3FB3] =	sst s6  }
0xf: {  	[smem:$0x3FB4] =	sst s7  }
0x10: {  	[smem:$0x3FB5] =	sst s8  }
0x11: {  	[smem:$0x3FB6] =	sst s9;
	s0 =	simm.s32 @!p0 $0x0  }
0x12: {  	s1 =	sld [smem:$0x3F9C];
	s0 =	simm.s32 @p0 $0x1  }
0x13: {  	[smem:$0x3FB7] =	sst s0;
	s0 =	simm.s32 @!p1 $0x0  }
0x14: {  	s2 =	sld [smem:$0x3F9B];
	s0 =	simm.s32 @p1 $0x1  }
0x15: {  	[smem:$0x3FB8] =	sst s0;
	s0 =	simm.s32 @!p2 $0x0  }
0x16: {  	s3 =	sld [smem:$0x3FDB];
	s0 =	simm.s32 @p2 $0x1  }
0x17: {  	s4 =	simm.s32 $0x1BF5;
	[smem:$0x3FBA] =	sst s0  }
0x18: {  	s0 =	sld [smem:$0x3F9D];
	_ =	swait.ge [sflag:s4], $0x0  }
0x19: {  	s7 =	sld [smem:$0x3F9E]  }
0x1a: {  	s8 =	sadd.s32 $0xFFFFE003, lr  }
0x1b: {  	s9 =	sadd.s32 $0xFFFFFEF7, lr;
	s5 =	simm.s32 $0xFFFFFFFF;
	p2 =	slt.u32 s8, $0xFFFFF086  }
0x1c: {  	p1 =	slt.u32 s9, $0xF7A;
	s5 =	simm.s32 @!p2 $0x0  }
0x1d: {  	s5 =	simm.s32 @p1 $0x1;
	p0 =	seq.s32 s7, s2  }
0x1e: {  	s7 =	smul.u32 @!p0 $0xF7A, s2;
	p2 =	seq.s32 @!p0 s5, $0x0  }
0x1f: {  	s9 =	smul.u32 $0xF7A, s1;
	s8 =	simm.s32 @!p0 $0x1BF5;
	p2 =	por !p2, p0  }
0x20: {  	[sflag:s8] =	ssyncset.s32 @!p0 $0xFFFFF086;
	s6 =	sadd.s32 @!p0 s3, s7;
	s7 =	simm.s32 @!p0 $0x108  }
0x21: {  	s3 =	sadd.s32 s3, s9;
	s6 =	sadd.s32 @!p0 $0x88, s6;
	s7 =	simm.s32 @p2 $0x1082  }
0x22: {  	[simem:s7], [sflag:s8] =	dma.local @!p0 [hbm:s6], $0xF7A  }
0x23: {  	s9 =	sor.u32 $0xD0000000, s2;
	s6 =	simm.s32 $0x108;
	_ =	swait.ge @!p0 [sflag:s8], $0x0  }
0x24: {  	s3 =	sadd.s32 $0x88, s3;
	s6 =	simm.s32 @!p1 $0x1082;
	[sflag:s4] =	ssyncset.s32 $0xFFFFF086  }
0x25: {  	[simem:s6], [sflag:s4] =	dma.local [hbm:s3], $0xF7A  }
0x26: {  	[smem:$0x3F9E] =	sst s1;
	(tag) =	ssettag s2;
	_ =	strace s9  }
0x27: {  	s1 =	sld [smem:$0x3FAE]  }
0x28: {  	s2 =	sld [smem:$0x3FAF]  }
0x29: {  	s4 =	sld [smem:$0x3FB1]  }
0x2a: {  	p0 =	seq.s32 s5, $0x0;
	s5 =	sld [smem:$0x3FB2]  }
0x2b: {  	s6 =	sld [smem:$0x3FB3]  }
0x2c: {  	s7 =	sld [smem:$0x3FB4]  }
0x2d: {  	s3 =	simm.s32 $0x108;
	s8 =	sld [smem:$0x3FB5]  }
0x2e: {  	s3 =	simm.s32 @!p0 $0x1082;
	s9 =	sld [smem:$0x3FB6]  }
0x2f: {  	lr =	sadd.s32 s0, s3;
	s0 =	sld [smem:$0x3FAD]  }
0x30: {  	s3 =	sld [smem:$0x3FB0]  }
0x31: {  	[smem:$0x3FB9] =	sst s10  }
0x32: {  	s10 =	sld [smem:$0x3FB7];
	_ =	sdelay $0x3  }
0x33: {  	p0 =	seq.s32 s10, $0x1;
	s10 =	sld [smem:$0x3FB9];
	_ =	sdelay $0x3  }
0x34: {  	[smem:$0x3FB9] =	sst s10  }
0x35: {  	s10 =	sld [smem:$0x3FB8];
	_ =	sdelay $0x3  }
0x36: {  	p1 =	seq.s32 s10, $0x1;
	s10 =	sld [smem:$0x3FB9];
	_ =	sdelay $0x3  }
0x37: {  	[smem:$0x3FB9] =	sst s10  }
0x38: {  	s10 =	sld [smem:$0x3FBA]  }
0x39: {  	_ = 	snop;
	(pc) =	sbr.ind lr, $3  }
0x3a: {  	_ = 	snop  }
0x3b: {  	_ = 	snop  }
0x3c: {  	p2 =	seq.s32 s10, $0x1;
	s10 =	sld [smem:$0x3FB9]  }
0x3d: {  	_ =	shalt  }
0x3e: {  	_ =	shalt  }
0x3f: {  	_ =	shalt  }
0x40: {  	_ =	shalt  }
0x41: {  	_ =	shalt  }
0x42: {  	_ =	shalt  }
0x43: {  	_ =	shalt  }
0x44: {  	_ =	shalt  }
0x45: {  	_ =	shalt  }
0x46: {  	_ =	shalt  }
0x47: {  	_ =	shalt  }
0x48: {  	_ =	shalt  }
0x49: {  	_ =	shalt  }
0x4a: {  	_ =	shalt  }
0x4b: {  	_ =	shalt  }
0x4c: {  	_ =	shalt  }
0x4d: {  	_ =	shalt  }
0x4e: {  	_ =	shalt  }
0x4f: {  	_ =	shalt  }
0x50: {  	_ =	shalt  }
0x51: {  	_ =	shalt  }
0x52: {  	_ =	shalt  }
0x53: {  	_ =	shalt  }
0x54: {  	_ =	shalt  }
0x55: {  	_ =	shalt  }
0x56: {  	_ =	shalt  }
0x57: {  	_ =	shalt  }
0x58: {  	_ =	shalt  }
0x59: {  	_ =	shalt  }
0x5a: {  	_ =	shalt  }
0x5b: {  	_ =	shalt  }
0x5c: {  	_ =	shalt  }
0x5d: {  	_ =	shalt  }
0x5e: {  	_ =	shalt  }
0x5f: {  	_ =	shalt  }
0x60: {  	_ =	shalt  }
0x61: {  	_ =	shalt  }
0x62: {  	_ =	shalt  }
0x63: {  	_ =	shalt  }
0x64: {  	_ =	shalt  }
0x65: {  	_ =	shalt  }
0x66: {  	_ =	shalt  }
0x67: {  	_ =	shalt  }
0x68: {  	_ =	shalt  }
0x69: {  	_ =	shalt  }
0x6a: {  	_ =	shalt  }
0x6b: {  	_ =	shalt  }
0x6c: {  	_ =	shalt  }
0x6d: {  	_ =	shalt  }
0x6e: {  	_ =	shalt  }
0x6f: {  	_ =	shalt  }
0x70: {  	_ =	shalt  }
0x71: {  	_ =	shalt  }
0x72: {  	_ =	shalt  }
0x73: {  	_ =	shalt  }
0x74: {  	_ =	shalt  }
0x75: {  	_ =	shalt  }
0x76: {  	_ =	shalt  }
0x77: {  	_ =	shalt  }
0x78: {  	_ =	shalt  }
0x79: {  	_ =	shalt  }
0x7a: {  	_ =	shalt  }
0x7b: {  	_ =	shalt  }
0x7c: {  	_ =	shalt  }
0x7d: {  	_ =	shalt  }
0x7e: {  	_ =	shalt  }
0x7f: {  	_ =	shalt  }
0x80: {  	_ =	shalt  }
0x81: {  	_ =	shalt  }
0x82: {  	_ =	shalt  }
0x83: {  	_ =	shalt  }
0x84: {  	_ =	shalt  }
0x85: {  	_ =	shalt  }
0x86: {  	_ =	shalt  }
0x87: {  	_ =	shalt  }
.Lfunc_end0:
.L_simem_size_0:
called_computation_lowered:
.L_overlay_start_0:
0x88: {  	s2 =	sld [smem:$0x3FD9]  }
0x89: {  	s3 =	sld [smem:$0x3FFE];
	_ =	sdelay $0x1  }
0x8a: {  	s1 =	srdreg.scid  }
0x8b: {  	s0 =	sand.u32 $0x1, s1  }
0x8c: {  	s18 =	sshll.u32 s0, $0xA;
	s2 =	sadd.s32 s3, s2  }
0x8d: {  	s2 =	sadd.s32 s2, s18  }
0x8e: {  	[smem:$0x3FC5] =	sst s2  }
0x8f: {  	_ = 	snop  }
0x90: {  	s2 =	sld [smem:$0x3FC9]  }
0x91: {  	s19 =	sld [smem:$0x3FC8]  }
0x92: {  	s4 =	sld [smem:$0x3FC7]  }
0x93: {  	s5 =	sld [smem:$0x3FD0];
	(tm) =	ssettm $0x1  }
0x94: {  	s6 =	sld [smem:$0x3FFB];
	_ =	sdelay $0x3  }
0x95: {  	_ =	strace s6  }
0x96: {  	s6 =	sld [smem:$0x3FFC];
	_ =	sdelay $0x3  }
0x97: {  	_ =	strace s6  }
0x98: {  	s6 =	sld [smem:$0x3FFD];
	_ =	sdelay $0x3  }
0x99: {  	_ =	strace s6  }
0x9a: {  	_ =	strace $0x8FFFFFFF  }
0x9b: {  	s20 =	sld [smem:$0x3FDB];
	_ =	sdelay $0x1  }
0x9c: {  	s7 =	simm.s32 $_scs_section_size  }
0x9d: {  	s8 =	simm.s32 $_size__tile_overlayer_lowered;
	s9 =	simm.s32 $_tile_overlayer_lowered  }
0x9e: {  	s23 =	simm.s32 $0x1BFF;
	s22 =	sshll.u32 s9, $0x1;
	s6 =	sadd.s32 s7, s20  }
0x9f: {  	s10 =	simm.s32 $0x0;
	s21 =	sshll.u32 s8, $0x1;
	s8 =	sadd.s32 s22, s6  }
0xa0: {  	[timem:s10], [sflag:s23] =	dma.local [hbm:s8], s21  }
0xa1: {  	_ =	swait.ge [sflag:s23], s21  }
0xa2: {  	s7 =	ssub.s32 $0x0, s21;
	[sflag:s23] =	ssyncset.done $0x0  }
0xa3: {  	[sflag:s23] =	ssyncadd.s32 s7;
	_ =	sdelay $0x1  }
0xa4: {  	s24 =	simm.s32 $0x1B8B  }
0xa5: {  	_ =	swait.ge [sflag:s24], $0x1  }
0xa6: {  	[sflag:s24] =	ssyncset.done $0x0  }
0xa7: {  	s25 =	simm.s32 $0x1B8E;
	[sflag:s24] =	ssyncadd.s32 $0xFFFFFFFF  }
0xa8: {  	s26 =	simm.s32 $execute0_lowered;
	[smem:$0x3FD2] =	sst s25  }
0xa9: {  	s7 =	sshll.u32 s26, $0x1;
	_ =	strace $0x80000046;
	[dreg:$0x1] =	wrdreg $0xFFFFFFFF  }
0xaa: {  	s28 =	simm.s32 $_size_execute0_lowered;
	s6 =	sadd.s32 s6, s7;
	[dreg:$0x0] =	wrdreg $0x0  }
0xab: {  	s7 =	sshll.u32 s28, $0x1;
	[dreg:$0x2] =	wrdreg s6  }
0xac: {  	[dreg:$0x3] =	wrdreg s7  }
0xad: {  	[dreg:$0x4] =	wrdreg $0xC0  }
0xae: {  	_ =	task [dreg:s10], $0x5FFFF  }
0xaf: {  	[dreg:$0x1] =	wrdreg $0xFFFFFFFF  }
0xb0: {  	[dreg:$0x0] =	wrdreg $0x60  }
0xb1: {  	[dreg:$0x2] =	wrdreg s2  }
0xb2: {  	[dreg:$0x3] =	wrdreg s19  }
0xb3: {  	[dreg:$0x4] =	wrdreg s4  }
0xb4: {  	[dreg:$0x5] =	wrdreg s5  }
0xb5: {  	[dreg:$0x6] =	wrdreg $0x9  }
0xb6: {  	_ =	task.clear_ibuf [dreg:s10], $0x7FFFF;
	_ =	strace $0x90000046  }
0xb7: {  	s29 =	simm.s32 $0x9;
	_ =	strace $0x80000048  }
0xb8: {  	_ =	swait.ge [sflag:s29], $0x1  }
0xb9: {  	[sflag:s29] =	ssyncadd.s32 $0xFFFFFFFF  }
0xba: {  	_ =	strace $0x90000048  }
0xbb: {  	_ =	sfence  }
0xbc: {  	s30 =	sld [smem:$0x0];
	_ =	sdelay $0x2  }
0xbd: {  	s31 =	sshll.u32 s1, $0xD;
	s1 =	sshrl.u32 s1, $0x2  }
0xbe: {  	s3 =	sand.u32 $0x4000, s31;
	s1 =	sadd.s32 s1, s30  }
0xbf: {  	s0 =	sor.u32 s3, s0;
	s1 =	sshll.u32 s1, $0x11  }
0xc0: {  	s0 =	sor.u32 s1, s0  }
0xc1: {  	s0 =	sadd.s32 $0x8F2B, s0  }
0xc2: {  	[sflag:s0] =	ssyncadd.remote.s32 $0x1  }
0xc3: {  	_ =	sfence.sel $0xFFFF  }
0xc4: {  	[dreg:$0x0] =	wrdreg $0xFFFFFFFF;
	(pc) =	sbr.abs _section_cstart, $3  }
0xc5: {  	[dreg:$0x1] =	wrdreg $0xFFFFFFFF  }
0xc6: {  	_ =	task.clear_ibuf [dreg:s10], $0x2FFFF;
	_ =	strace $0x9FFFFFFF  }
0xc7: {  	(tm) =	ssettm $0x7FFFFFFF  }
tec
execute0_lowered:
.L_overlay_start_1:
0x0: {  	(tag) =	ssettag $0x1  }
0x1: {  	s1 =	rddreg [dreg:$0x0]  }
0x2: {  	s2 =	rddreg [dreg:$0x1];
	s0 =	srdreg.scid  }
0x3: {  	s3 =	stileid.u32;
	s5 =	rddreg [dreg:$0x3]  }
0x4: {  	s6 =	simm.s32 $0x0;
	s18 =	simm.s32 $0xD;
	s20 =	simm.s32 $0x200  }
0x5: {  	s21 =	simm.s32 $0x300;
	s22 =	simm.s32 $0xC8;
	s23 =	simm.s32 $0x400  }
0x6: {  	s28 =	simm.s32 $0x2;
	s29 =	simm.s32 $0x13000;
	s30 =	simm.s32 $0x3  }
0x7: {  	s31 =	simm.s32 $0x4;
	s0 =	sand.u32 $0x1, s0;
	s3 =	sshll.u32 s3, $0x1  }
0x8: {  	s17 =	simm.s32 $0xC;
	s9 =	simm.s32 $0x7;
	s3 =	sor.u32 s0, s3  }
0x9: {  	[smem:$0x7FF] =	sst s6;
	s0 =	ssub.s32 $0x2, s0;
	s4 =	smul.u32 $0xC80, s3  }
0xa: {  	s10 =	simm.s32 $0x0;
	_ =	strace $0x80000047;
	s7 =	sshrl.u32 s0, $0x1  }
0xb: {  	s8 =	sshll.u32 s3, $0x7;
	s0 =	ssub.s32 s0, s7;
	s4 =	sadd.s32 s1, s4  }
0xc: {  	s12 =	sor.u32 $0x4, s8;
	s0 =	smax.u32 s0, $0x1;
	[dreg:$0x5] =	wrdreg s4  }
0xd: {  	s13 =	sor.u32 $0x5, s8;
	s24 =	sadd.s32 $0x19, s4;
	[dreg:$0x9] =	wrdreg s0  }
0xe: {  	s14 =	sor.u32 $0x6, s8;
	s25 =	sadd.s32 $0x32, s4;
	[dreg:$0x6] =	wrdreg s24  }
0xf: {  	s15 =	sor.u32 $0x7, s8;
	s26 =	sadd.s32 $0x4B, s4;
	[dreg:$0x7] =	wrdreg s25  }
0x10: {  	s0 =	simm.s32 $0xA;
	s4 =	simm.s32 $0xB;
	[dreg:$0x8] =	wrdreg s26  }
0x11: {  	s24 =	simm.s32 $0x6800;
	s25 =	simm.s32 $0x1;
	s26 =	simm.s32 $0xCC00  }
.LBB2_1:
0x12: {  	s3 =	rddreg [dreg:$0x2];
	s7 =	simm.s32 $0x19400  }
0x13: {  	[tilespmem:s7], [sflag:$0xD] =	stream.linear.gather [hbm4b:s3+s6], $0x6400, $0x38;
	[tilespmem:$0x1F800] =	vst v63  }
0x14: {  	_ =	swait.ge [sflag:s18], $0x6400  }
0x15: {  	[sflag:s18] =	ssyncset.done $0x0  }
0x16: {  	s19 =	rddreg [dreg:$0x5];
	[sflag:s18] =	ssyncadd.s32 $0xFFFF9C00  }
0x17: {  	[tilespmem:s6], [sflag:$0xD] =	stream.linear.gather [hbm4b:s19+s6], $0xC8, $0x38;
	[tilespmem:$0x1F800] =	vst v63  }
0x18: {  	_ =	swait.ge [sflag:s18], $0xC8  }
0x19: {  	[sflag:s18] =	ssyncset.done $0x0  }
0x1a: {  	s11 =	simm.s32 $0x100;
	s7 =	rddreg [dreg:$0x6];
	[sflag:s18] =	ssyncadd.s32 $0xFFFFFF38  }
0x1b: {  	[tilespmem:s11], [sflag:$0xD] =	stream.linear.gather [hbm4b:s7+s6], $0xC8, $0x38;
	[tilespmem:$0x1F800] =	vst v63  }
0x1c: {  	_ =	swait.ge [sflag:s18], $0xC8  }
0x1d: {  	[sflag:s18] =	ssyncset.done $0x0  }
0x1e: {  	s16 =	rddreg [dreg:$0x7];
	[sflag:s18] =	ssyncadd.s32 $0xFFFFFF38  }
0x1f: {  	[tilespmem:s20], [sflag:$0xD] =	stream.linear.gather [hbm4b:s16+s6], $0xC8, $0x38;
	[tilespmem:$0x1F800] =	vst v63  }
0x20: {  	_ =	swait.ge [sflag:s18], $0xC8  }
0x21: {  	[sflag:s18] =	ssyncset.done $0x0  }
0x22: {  	s19 =	rddreg [dreg:$0x8];
	[sflag:s18] =	ssyncadd.s32 $0xFFFFFF38  }
0x23: {  	[tilespmem:s21], [sflag:$0xD] =	stream.linear.gather [hbm4b:s19+s6], $0xC8, $0x38;
	[tilespmem:$0x1F800] =	vst v63  }
0x24: {  	_ =	swait.ge [sflag:s18], $0xC8  }
0x25: {  	[sflag:s18] =	ssyncset.done $0x0  }
0x26: {  	[sflag:s18] =	ssyncadd.s32 $0xFFFFFF38  }
0x27: {  	[tilespmem:s23], [sflag:$0x1] =	stream.indirect.gather [hbm4b:s2+s22], $0x80, s6, s22, $0xb8;
	[tilespmem:$0x1F800] =	vst v63  }
0x28: {  	_ = 	snop  }
0x29: {  	[tilespmem:s24], [sflag:$0x2] =	stream.indirect.gather [hbm4b:s2+s22], $0x80, s11, s22, $0xb8;
	[tilespmem:$0x1F800] =	vst v63  }
0x2a: {  	s11 =	simm.s32 $0x0  }
.LBB2_2:
0x2b: {  	p0 =	seq.s32 s11, $0x1F  }
0x2c: {  	p1 =	seq.s32 @!p0 s11, $0x0  }
0x2d: {  	s19 =	sshll.u32 s11, $0x2;
	p1 =	por p0, !p1  }
.Ltmp0:
0x2e: {  	s3 =	sadd.s32 @!p0 s19, s12;
	(pc) =	sbr.rel @!p1 .LBB2_3-.Ltmp0, $4  }
0x2f: {  	_ =	swait.ge [sflag:s25], $0x6400;
	s3 =	smul.u32 @!p0 $0x19, s3  }
0x30: {  	[sflag:s25] =	ssyncset.done $0x0  }
0x31: {  	s7 =	simm.s32 @!p0 $0x0;
	[sflag:s25] =	ssyncadd.s32 $0xFFFF9C00;
	s3 =	sadd.s32 @!p0 s1, s3  }
0x32: {  	[tilespmem:s7], [sflag:$0x5] =	stream.linear.gather @!p0 [hbm4b:s3+s7], $0xC8, $0x38;
	[tilespmem:$0x1F800] =	vst v63  }
0x33: {  	_ =	swait.ge [sflag:s4], $0x6400  }
.Ltmp1:
0x34: {  	[sflag:s4] =	ssyncset.done $0x0;
	(pc) =	sbr.rel .LBB2_5-.Ltmp1, $4  }
0x35: {  	[sflag:s4] =	ssyncadd.s32 $0xFFFF9C00  }
0x36: {  	_ =	swait.ge [sflag:s9], $0xC8  }
0x37: {  	[sflag:s9] =	ssyncset.done $0x0  }
0x38: {  	p1 =	por $0x0, $0x0;
	[sflag:s9] =	ssyncadd.s32 $0xFFFFFF38  }
.LBB2_3:
0x39: {  	p1 =	por @!p0 $0x1, $0x1  }
.LBB2_5:
0x3a: {  	[tilespmem:s26], [sflag:$0x3] =	stream.indirect.gather [hbm4b:s2+s22], $0x80, s20, s22, $0xb8;
	[tilespmem:$0x1F800] =	vst v63  }
0x3b: {  	s16 =	simm.s32 $0x0;
	s7 =	simm.s32 $0x200  }
.LBB2_6:
0x3c: {  	p2 =	sne.s32 s7, $0x18E00;
	v0 =	vld [tilespmem:s16+$0x19470]  }
0x3d: {  	v1 =	vld [tilespmem:s16+$0x19400]  }
0x3e: {  	v2 =	vld [tilespmem:s16+$0x19410]  }
0x3f: {  	v3 =	vld [tilespmem:s16+$0x19420]  }
0x40: {  	v4 =	vld [tilespmem:s16+$0x19430]  }
0x41: {  	[tilespmem:s16+$0x470] =	vst.add.f32.msk $0xffff, v0  }
0x42: {  	v0 =	vld [tilespmem:s16+$0x19440]  }
0x43: {  	v5 =	vld [tilespmem:s16+$0x19450]  }
0x44: {  	v6 =	vld [tilespmem:s16+$0x19460]  }
0x45: {  	[tilespmem:s16+$0x400] =	vst.add.f32.msk $0xffff, v1  }
0x46: {  	[tilespmem:s16+$0x410] =	vst.add.f32.msk $0xffff, v2  }
.Ltmp2:
0x47: {  	[tilespmem:s16+$0x420] =	vst.add.f32.msk $0xffff, v3;
	(pc) =	sbr.rel @p2 .LBB2_6-.Ltmp2, $4  }
0x48: {  	[tilespmem:s16+$0x430] =	vst.add.f32.msk $0xffff, v4  }
0x49: {  	[tilespmem:s16+$0x440] =	vst.add.f32.msk $0xffff, v0  }
0x4a: {  	[tilespmem:s16+$0x450] =	vst.add.f32.msk $0xffff, v5  }
0x4b: {  	[tilespmem:s16+$0x460] =	vst.add.f32.msk $0xffff, v6;
	s16 =	sshra.s32 s7, $0x2;
	s7 =	sadd.s32 $0x200, s7  }
0x4c: {  	v0 =	vld [tilespmem:s16+$0x19470]  }
0x4d: {  	v1 =	vld [tilespmem:s16+$0x19400]  }
0x4e: {  	v2 =	vld [tilespmem:s16+$0x19410]  }
0x4f: {  	v3 =	vld [tilespmem:s16+$0x19420]  }
0x50: {  	v4 =	vld [tilespmem:s16+$0x19430]  }
0x51: {  	v63 =	vld [tilespmem:s16+$0x19440]  }
0x52: {  	v5 =	vld [tilespmem:s16+$0x19450]  }
0x53: {  	v6 =	vld [tilespmem:s16+$0x19460]  }
0x54: {  	[tilespmem:s16+$0x470] =	vst.add.f32.msk $0xffff, v0  }
0x55: {  	[tilespmem:s16+$0x400] =	vst.add.f32.msk $0xffff, v1  }
0x56: {  	[tilespmem:s16+$0x410] =	vst.add.f32.msk $0xffff, v2  }
0x57: {  	[tilespmem:s16+$0x420] =	vst.add.f32.msk $0xffff, v3  }
0x58: {  	s3 =	sadd.s32 s8, s19;
	[tilespmem:s16+$0x430] =	vst.add.f32.msk $0xffff, v4  }
0x59: {  	s3 =	smul.u32 $0xC80, s3;
	[tilespmem:s16+$0x440] =	vst.add.f32.msk $0xffff, v63  }
0x5a: {  	[tilespmem:s16+$0x450] =	vst.add.f32.msk $0xffff, v5  }
0x5b: {  	s3 =	sadd.s32 s5, s3;
	[tilespmem:s16+$0x460] =	vst.add.f32.msk $0xffff, v6  }
0x5c: {  	[hbm4b:s3+s6] =	stream.linear.scatter [tilespmem:s23], [sflag:$0x9], $0x6400, $0x38;
	[tilespmem:$0x1F800] =	vst v63  }
0x5d: {  	s3 =	sadd.s32 @!p0 s19, s13  }
0x5e: {  	_ =	swait.ge [sflag:s28], $0x6400;
	s3 =	smul.u32 @!p0 $0x19, s3  }
0x5f: {  	s7 =	simm.s32 @!p0 $0x0;
	[sflag:s28] =	ssyncset.done $0x0  }
0x60: {  	s16 =	simm.s32 @!p0 $0x100;
	[sflag:s28] =	ssyncadd.s32 $0xFFFF9C00;
	s3 =	sadd.s32 @!p0 s1, s3  }
0x61: {  	[tilespmem:s16], [sflag:$0x6] =	stream.linear.gather @!p0 [hbm4b:s3+s7], $0xC8, $0x38;
	[tilespmem:$0x1F800] =	vst v63  }
0x62: {  	s3 =	simm.s32 @!p1 $0xC  }
0x63: {  	_ =	swait.ge @!p1 [sflag:s3], $0x6400  }
0x64: {  	[sflag:s3] =	ssyncset.done @!p1 $0x0  }
0x65: {  	[sflag:s3] =	ssyncadd.s32 @!p1 $0xFFFF9C00;
	s3 =	simm.s32 @!p1 $0x8  }
0x66: {  	_ =	swait.ge @!p1 [sflag:s3], $0xC8  }
0x67: {  	s7 =	sor.u32 $0x1, s19;
	[sflag:s3] =	ssyncset.done @!p1 $0x0  }
0x68: {  	s16 =	simm.s32 $0x0;
	[sflag:s3] =	ssyncadd.s32 @!p1 $0xFFFFFF38;
	s3 =	simm.s32 $0x200  }
0x69: {  	[tilespmem:s29], [sflag:$0x4] =	stream.indirect.gather [hbm4b:s2+s22], $0x80, s21, s22, $0xb8;
	[tilespmem:$0x1F800] =	vst v63  }
.LBB2_8:
0x6a: {  	p1 =	sne.s32 s3, $0x18E00;
	v0 =	vld [tilespmem:s16+$0x19470]  }
0x6b: {  	v1 =	vld [tilespmem:s16+$0x19400]  }
0x6c: {  	v2 =	vld [tilespmem:s16+$0x19410]  }
0x6d: {  	v3 =	vld [tilespmem:s16+$0x19420]  }
0x6e: {  	v4 =	vld [tilespmem:s16+$0x19430]  }
0x6f: {  	[tilespmem:s16+$0x6870] =	vst.add.f32.msk $0xffff, v0  }
0x70: {  	v0 =	vld [tilespmem:s16+$0x19440]  }
0x71: {  	v5 =	vld [tilespmem:s16+$0x19450]  }
0x72: {  	v6 =	vld [tilespmem:s16+$0x19460]  }
0x73: {  	[tilespmem:s16+$0x6800] =	vst.add.f32.msk $0xffff, v1  }
0x74: {  	[tilespmem:s16+$0x6810] =	vst.add.f32.msk $0xffff, v2  }
.Ltmp3:
0x75: {  	[tilespmem:s16+$0x6820] =	vst.add.f32.msk $0xffff, v3;
	(pc) =	sbr.rel @p1 .LBB2_8-.Ltmp3, $4  }
0x76: {  	[tilespmem:s16+$0x6830] =	vst.add.f32.msk $0xffff, v4  }
0x77: {  	[tilespmem:s16+$0x6840] =	vst.add.f32.msk $0xffff, v0  }
0x78: {  	[tilespmem:s16+$0x6850] =	vst.add.f32.msk $0xffff, v5  }
0x79: {  	[tilespmem:s16+$0x6860] =	vst.add.f32.msk $0xffff, v6;
	s16 =	sshra.s32 s3, $0x2;
	s3 =	sadd.s32 $0x200, s3  }
0x7a: {  	v0 =	vld [tilespmem:s16+$0x19470]  }
0x7b: {  	v1 =	vld [tilespmem:s16+$0x19400]  }
0x7c: {  	v2 =	vld [tilespmem:s16+$0x19410]  }
0x7d: {  	v3 =	vld [tilespmem:s16+$0x19420]  }
0x7e: {  	v4 =	vld [tilespmem:s16+$0x19430]  }
0x7f: {  	v63 =	vld [tilespmem:s16+$0x19440]  }
0x80: {  	v5 =	vld [tilespmem:s16+$0x19450]  }
0x81: {  	v6 =	vld [tilespmem:s16+$0x19460]  }
0x82: {  	[tilespmem:s16+$0x6870] =	vst.add.f32.msk $0xffff, v0  }
0x83: {  	[tilespmem:s16+$0x6800] =	vst.add.f32.msk $0xffff, v1  }
0x84: {  	[tilespmem:s16+$0x6810] =	vst.add.f32.msk $0xffff, v2  }
0x85: {  	[tilespmem:s16+$0x6820] =	vst.add.f32.msk $0xffff, v3  }
0x86: {  	s3 =	sadd.s32 s8, s7;
	[tilespmem:s16+$0x6830] =	vst.add.f32.msk $0xffff, v4  }
0x87: {  	s3 =	smul.u32 $0xC80, s3;
	[tilespmem:s16+$0x6840] =	vst.add.f32.msk $0xffff, v63  }
0x88: {  	[tilespmem:s16+$0x6850] =	vst.add.f32.msk $0xffff, v5  }
0x89: {  	s3 =	sadd.s32 s5, s3;
	[tilespmem:s16+$0x6860] =	vst.add.f32.msk $0xffff, v6  }
0x8a: {  	[hbm4b:s3+s6] =	stream.linear.scatter [tilespmem:s24], [sflag:$0xA], $0x6400, $0x38;
	[tilespmem:$0x1F800] =	vst v63  }
0x8b: {  	s3 =	sadd.s32 @!p0 s19, s14  }
0x8c: {  	_ =	swait.ge [sflag:s30], $0x6400;
	s3 =	smul.u32 @!p0 $0x19, s3  }
0x8d: {  	s7 =	simm.s32 @!p0 $0x0;
	[sflag:s30] =	ssyncset.done $0x0  }
0x8e: {  	s16 =	simm.s32 @!p0 $0x200;
	[sflag:s30] =	ssyncadd.s32 $0xFFFF9C00;
	s3 =	sadd.s32 @!p0 s1, s3  }
0x8f: {  	[tilespmem:s16], [sflag:$0x7] =	stream.linear.gather @!p0 [hbm4b:s3+s7], $0xC8, $0x38;
	[tilespmem:$0x1F800] =	vst v63  }
0x90: {  	s3 =	simm.s32 @!p0 $0x9  }
0x91: {  	_ =	swait.ge @!p0 [sflag:s3], $0x6400  }
0x92: {  	[sflag:s3] =	ssyncset.done @!p0 $0x0  }
0x93: {  	[sflag:s3] =	ssyncadd.s32 @!p0 $0xFFFF9C00;
	s3 =	simm.s32 @!p0 $0x5  }
0x94: {  	_ =	swait.ge @!p0 [sflag:s3], $0xC8  }
0x95: {  	[sflag:s3] =	ssyncset.done @!p0 $0x0  }
0x96: {  	s16 =	simm.s32 @!p0 $0x400;
	[sflag:s3] =	ssyncadd.s32 @!p0 $0xFFFFFF38;
	s3 =	simm.s32 @!p0 $0xC8  }
0x97: {  	[tilespmem:s16], [sflag:$0x1] =	stream.indirect.gather @!p0 [hbm4b:s2+s3], $0x80, s7, s3, $0xb8;
	[tilespmem:$0x1F800] =	vst v63  }
0x98: {  	s7 =	sor.u32 $0x2, s19;
	s16 =	simm.s32 $0x0;
	s3 =	simm.s32 $0x200  }
.LBB2_10:
0x99: {  	p1 =	sne.s32 s3, $0x18E00;
	v0 =	vld [tilespmem:s16+$0x19470]  }
0x9a: {  	v1 =	vld [tilespmem:s16+$0x19400]  }
0x9b: {  	v2 =	vld [tilespmem:s16+$0x19410]  }
0x9c: {  	v3 =	vld [tilespmem:s16+$0x19420]  }
0x9d: {  	v4 =	vld [tilespmem:s16+$0x19430]  }
0x9e: {  	[tilespmem:s16+$0xCC70] =	vst.add.f32.msk $0xffff, v0  }
0x9f: {  	v0 =	vld [tilespmem:s16+$0x19440]  }
0xa0: {  	v5 =	vld [tilespmem:s16+$0x19450]  }
0xa1: {  	v6 =	vld [tilespmem:s16+$0x19460]  }
0xa2: {  	[tilespmem:s16+$0xCC00] =	vst.add.f32.msk $0xffff, v1  }
0xa3: {  	[tilespmem:s16+$0xCC10] =	vst.add.f32.msk $0xffff, v2  }
.Ltmp4:
0xa4: {  	[tilespmem:s16+$0xCC20] =	vst.add.f32.msk $0xffff, v3;
	(pc) =	sbr.rel @p1 .LBB2_10-.Ltmp4, $4  }
0xa5: {  	[tilespmem:s16+$0xCC30] =	vst.add.f32.msk $0xffff, v4  }
0xa6: {  	[tilespmem:s16+$0xCC40] =	vst.add.f32.msk $0xffff, v0  }
0xa7: {  	[tilespmem:s16+$0xCC50] =	vst.add.f32.msk $0xffff, v5  }
0xa8: {  	[tilespmem:s16+$0xCC60] =	vst.add.f32.msk $0xffff, v6;
	s16 =	sshra.s32 s3, $0x2;
	s3 =	sadd.s32 $0x200, s3  }
0xa9: {  	v0 =	vld [tilespmem:s16+$0x19470]  }
0xaa: {  	v1 =	vld [tilespmem:s16+$0x19400]  }
0xab: {  	v2 =	vld [tilespmem:s16+$0x19410]  }
0xac: {  	v3 =	vld [tilespmem:s16+$0x19420]  }
0xad: {  	v4 =	vld [tilespmem:s16+$0x19430]  }
0xae: {  	v63 =	vld [tilespmem:s16+$0x19440]  }
0xaf: {  	v5 =	vld [tilespmem:s16+$0x19450]  }
0xb0: {  	v6 =	vld [tilespmem:s16+$0x19460]  }
0xb1: {  	[tilespmem:s16+$0xCC70] =	vst.add.f32.msk $0xffff, v0  }
0xb2: {  	[tilespmem:s16+$0xCC00] =	vst.add.f32.msk $0xffff, v1  }
0xb3: {  	[tilespmem:s16+$0xCC10] =	vst.add.f32.msk $0xffff, v2  }
0xb4: {  	[tilespmem:s16+$0xCC20] =	vst.add.f32.msk $0xffff, v3  }
0xb5: {  	s3 =	sadd.s32 s8, s7;
	[tilespmem:s16+$0xCC30] =	vst.add.f32.msk $0xffff, v4  }
0xb6: {  	s3 =	smul.u32 $0xC80, s3;
	[tilespmem:s16+$0xCC40] =	vst.add.f32.msk $0xffff, v63  }
0xb7: {  	[tilespmem:s16+$0xCC50] =	vst.add.f32.msk $0xffff, v5  }
0xb8: {  	s3 =	sadd.s32 s5, s3;
	[tilespmem:s16+$0xCC60] =	vst.add.f32.msk $0xffff, v6  }
0xb9: {  	[hbm4b:s3+s6] =	stream.linear.scatter [tilespmem:s26], [sflag:$0xB], $0x6400, $0x38;
	[tilespmem:$0x1F800] =	vst v63  }
0xba: {  	s3 =	sadd.s32 @!p0 s19, s15  }
0xbb: {  	_ =	swait.ge [sflag:s31], $0x6400;
	s3 =	smul.u32 @!p0 $0x19, s3  }
0xbc: {  	s7 =	simm.s32 @!p0 $0x0;
	[sflag:s31] =	ssyncset.done $0x0  }
0xbd: {  	s16 =	simm.s32 @!p0 $0x300;
	[sflag:s31] =	ssyncadd.s32 $0xFFFF9C00;
	s3 =	sadd.s32 @!p0 s1, s3  }
0xbe: {  	[tilespmem:s16], [sflag:$0x8] =	stream.linear.gather @!p0 [hbm4b:s3+s7], $0xC8, $0x38;
	[tilespmem:$0x1F800] =	vst v63  }
0xbf: {  	s3 =	simm.s32 @!p0 $0xA  }
0xc0: {  	_ =	swait.ge @!p0 [sflag:s3], $0x6400  }
0xc1: {  	[sflag:s3] =	ssyncset.done @!p0 $0x0  }
0xc2: {  	[sflag:s3] =	ssyncadd.s32 @!p0 $0xFFFF9C00;
	s3 =	simm.s32 @!p0 $0x6  }
0xc3: {  	_ =	swait.ge @!p0 [sflag:s3], $0xC8  }
0xc4: {  	s7 =	simm.s32 @!p0 $0x100;
	[sflag:s3] =	ssyncset.done @!p0 $0x0  }
0xc5: {  	s16 =	simm.s32 @!p0 $0x6800;
	[sflag:s3] =	ssyncadd.s32 @!p0 $0xFFFFFF38;
	s3 =	simm.s32 @!p0 $0xC8  }
0xc6: {  	[tilespmem:s16], [sflag:$0x2] =	stream.indirect.gather @!p0 [hbm4b:s2+s3], $0x80, s7, s3, $0xb8;
	[tilespmem:$0x1F800] =	vst v63  }
0xc7: {  	s7 =	sor.u32 $0x3, s19;
	s16 =	simm.s32 $0x0;
	s3 =	simm.s32 $0x200  }
.LBB2_12:
0xc8: {  	p0 =	sne.s32 s3, $0x18E00;
	v0 =	vld [tilespmem:s16+$0x19470]  }
0xc9: {  	v1 =	vld [tilespmem:s16+$0x19400]  }
0xca: {  	v2 =	vld [tilespmem:s16+$0x19410]  }
0xcb: {  	v3 =	vld [tilespmem:s16+$0x19420]  }
0xcc: {  	v4 =	vld [tilespmem:s16+$0x19430]  }
0xcd: {  	[tilespmem:s16+$0x13070] =	vst.add.f32.msk $0xffff, v0  }
0xce: {  	v0 =	vld [tilespmem:s16+$0x19440]  }
0xcf: {  	v5 =	vld [tilespmem:s16+$0x19450]  }
0xd0: {  	v6 =	vld [tilespmem:s16+$0x19460]  }
0xd1: {  	[tilespmem:s16+$0x13000] =	vst.add.f32.msk $0xffff, v1  }
0xd2: {  	[tilespmem:s16+$0x13010] =	vst.add.f32.msk $0xffff, v2  }
.Ltmp5:
0xd3: {  	[tilespmem:s16+$0x13020] =	vst.add.f32.msk $0xffff, v3;
	(pc) =	sbr.rel @p0 .LBB2_12-.Ltmp5, $4  }
0xd4: {  	[tilespmem:s16+$0x13030] =	vst.add.f32.msk $0xffff, v4  }
0xd5: {  	[tilespmem:s16+$0x13040] =	vst.add.f32.msk $0xffff, v0  }
0xd6: {  	[tilespmem:s16+$0x13050] =	vst.add.f32.msk $0xffff, v5  }
0xd7: {  	[tilespmem:s16+$0x13060] =	vst.add.f32.msk $0xffff, v6;
	s16 =	sshra.s32 s3, $0x2;
	s3 =	sadd.s32 $0x200, s3  }
0xd8: {  	v0 =	vld [tilespmem:s16+$0x19470]  }
0xd9: {  	v1 =	vld [tilespmem:s16+$0x19400]  }
0xda: {  	v2 =	vld [tilespmem:s16+$0x19410]  }
0xdb: {  	v3 =	vld [tilespmem:s16+$0x19420]  }
0xdc: {  	v4 =	vld [tilespmem:s16+$0x19430]  }
0xdd: {  	v63 =	vld [tilespmem:s16+$0x19440]  }
0xde: {  	v5 =	vld [tilespmem:s16+$0x19450]  }
0xdf: {  	v6 =	vld [tilespmem:s16+$0x19460]  }
0xe0: {  	[tilespmem:s16+$0x13070] =	vst.add.f32.msk $0xffff, v0  }
0xe1: {  	[tilespmem:s16+$0x13000] =	vst.add.f32.msk $0xffff, v1  }
0xe2: {  	s11 =	sadd.s32 $0x1, s11;
	[tilespmem:s16+$0x13010] =	vst.add.f32.msk $0xffff, v2  }
0xe3: {  	p0 =	sne.s32 s11, $0x20;
	[tilespmem:s16+$0x13020] =	vst.add.f32.msk $0xffff, v3  }
.Ltmp6:
0xe4: {  	s3 =	sadd.s32 s8, s7;
	[tilespmem:s16+$0x13030] =	vst.add.f32.msk $0xffff, v4;
	(pc) =	sbr.rel @p0 .LBB2_2-.Ltmp6, $4  }
0xe5: {  	s3 =	smul.u32 $0xC80, s3;
	[tilespmem:s16+$0x13040] =	vst.add.f32.msk $0xffff, v63  }
0xe6: {  	[tilespmem:s16+$0x13050] =	vst.add.f32.msk $0xffff, v5  }
0xe7: {  	s3 =	sadd.s32 s5, s3;
	[tilespmem:s16+$0x13060] =	vst.add.f32.msk $0xffff, v6  }
0xe8: {  	[hbm4b:s3+s6] =	stream.linear.scatter [tilespmem:s29], [sflag:$0xC], $0x6400, $0x38;
	[tilespmem:$0x1F800] =	vst v63  }
0xe9: {  	s3 =	simm.s32 $0x9  }
0xea: {  	_ =	swait.ge [sflag:s3], $0x6400  }
0xeb: {  	[sflag:s3] =	ssyncset.done $0x0  }
0xec: {  	[sflag:s3] =	ssyncadd.s32 $0xFFFF9C00  }
0xed: {  	_ =	swait.ge [sflag:s0], $0x6400  }
0xee: {  	[sflag:s0] =	ssyncset.done $0x0  }
0xef: {  	[sflag:s0] =	ssyncadd.s32 $0xFFFF9C00  }
0xf0: {  	_ =	swait.ge [sflag:s4], $0x6400  }
0xf1: {  	[sflag:s4] =	ssyncset.done $0x0  }
0xf2: {  	[sflag:s4] =	ssyncadd.s32 $0xFFFF9C00  }
0xf3: {  	_ =	swait.ge [sflag:s17], $0x6400  }
0xf4: {  	s10 =	sadd.s32 $0x1, s10;
	s19 =	rddreg [dreg:$0x9]  }
0xf5: {  	p0 =	sne.s32 s10, s19  }
.Ltmp7:
0xf6: {  	_ = 	snop;
	(pc) =	sbr.rel @p0 .LBB2_1-.Ltmp7, $3  }
0xf7: {  	_ =	sdelay $0x1  }
0xf8: {  	[sflag:s17] =	ssyncset.done $0x0  }
0xf9: {  	[sflag:s17] =	ssyncadd.s32 $0xFFFF9C00  }
0xfa: {  	_ =	sfence.sel $0x180000  }
0xfb: {  	[bflag:$0x0] =	sbarrier.arrive $0xFFFF  }
0xfc: {  	_ =	strace $0x90000047  }
0xfd: {  	s0 =	stileid.u32;
	[bflag:$0x2] =	sbarrier.arrive $0xFFFF  }
0xfe: {  	p0 =	sne.s32 s0, $0x0;
	s0 =	rddreg [dreg:$0x4]  }
0xff: {  	s0 =	sadd.s32 @!p0 $0x100000, s0  }
0x100: {  	[sflag:s0] =	ssyncadd.tile.s32 @!p0 $0x1;
	_ =	shalt  }
.Lfunc_end2:
_tile_overlayer_lowered:
.L_overlay_start_2:
0x101: {  	(tag) =	ssettag $0x2  }
0x102: {  	s0 =	rddreg [dreg:$0x0];
	s2 =	stileid.u32  }
0x103: {  	s1 =	rddreg [dreg:$0x1];
	p0 =	sne.s32 s2, $0x0  }
0x104: {  	s3 =	rddreg [dreg:$0x2];
	[bflag:$0x3] =	sbarrier.arrive $0xFFFF;
	s2 =	simm.s32 @!p0 $0x1C0D  }
0x105: {  	[timem:s3], [sflag:s2] =	dma.local @!p0 [hbm:s0], s1  }
0x106: {  	s0 =	simm.s32 @!p0 $0xD  }
0x107: {  	_ =	swait.ge @!p0 [sflag:s0], s1  }
0x108: {  	s1 =	ssub.s32 @!p0 $0x0, s1;
	[sflag:s0] =	ssyncset.done @!p0 $0x0  }
0x109: {  	[sflag:s0] =	ssyncadd.s32 @!p0 s1  }
0x10a: {  	[bflag:$0x3] =	sbarrier.arrive $0xFFFF  }
0x10b: {  	_ =	shalt  }

</sc_bundles>
